<compile_context>
chip_gen: v7x
topology: tpu7x:2x2x1
jax: 0.10.2.dev20260603
libtpu: 0.0.44.dev20260713+nightly
codegen_flags: <defaults>
</compile_context>

<pallas_src>
import functools

import jax
import jax.numpy as jnp
from jax import lax
from jax.experimental import pallas as pl
from jax.experimental.pallas import tpu as pltpu
from jax.experimental.pallas import tpu_sc as plsc

FIELDS = 8
B = 16384
V = 100000
D = 32
ND = 64
P = 128

_NC = 2
_NS = 16
_NW = _NC * _NS
_BPW = B // _NW


def _make_sc_gather(nf):
    mesh = plsc.VectorSubcoreMesh(core_axis_name="c", subcore_axis_name="s")

    @functools.partial(
        pl.kernel,
        mesh=mesh,
        out_type=jax.ShapeDtypeStruct((B, nf * D), jnp.float32),
        scratch_types=[
            pltpu.VMEM((_BPW,), jnp.int32),
            pltpu.VMEM((_BPW, D), jnp.float32),
            pltpu.SemaphoreType.DMA,
        ],
        compiler_params=pltpu.CompilerParams(use_tc_tiling_on_sc=False),
    )
    def sc_gather(*refs):
        idxs = refs[:nf]
        tabs = refs[nf:2 * nf]
        out = refs[2 * nf]
        idx_v, rows_v, sem = refs[2 * nf + 1:]
        wid = lax.axis_index("s") * _NC + lax.axis_index("c")
        base = wid * _BPW
        for f in range(nf):
            pltpu.sync_copy(idxs[f].at[pl.ds(base, _BPW)], idx_v)
            pltpu.async_copy(tabs[f].at[idx_v], rows_v, sem).wait()
            pltpu.sync_copy(rows_v,
                            out.at[pl.ds(base, _BPW), pl.ds(f * D, D)])

    return sc_gather


_SC_GATHER_H = _make_sc_gather(FIELDS // 2)

_BS = 1024


def _tc_body(emb_a_ref, emb_b_ref, num_ref, g_ref, be_ref, wn_ref, bn_ref,
             wcat_ref, wnum_ref, bf_ref, out_ref):
    x = num_ref[...]
    mu = jnp.mean(x, axis=-1, keepdims=True)
    var = jnp.mean((x - mu) ** 2, axis=-1, keepdims=True)
    xn = (x - mu) * lax.rsqrt(var + 1e-5) * g_ref[...] + be_ref[...]
    nf = jnp.maximum(
        jnp.dot(xn, wn_ref[...], preferred_element_type=jnp.float32)
        + bn_ref[...], 0.0)
    ea = emb_a_ref[...]
    eb = emb_b_ref[...]
    half = FIELDS * D // 2
    acc = jnp.dot(ea, wcat_ref[:half], preferred_element_type=jnp.float32)
    acc = acc + jnp.dot(eb, wcat_ref[half:],
                        preferred_element_type=jnp.float32)
    acc = acc + jnp.dot(nf, wnum_ref[...], preferred_element_type=jnp.float32)
    out_ref[...] = jnp.maximum(acc + bf_ref[...], 0.0)


def kernel(idx_0, idx_1, idx_2, idx_3, idx_4, idx_5, idx_6, idx_7,
           numeric_input,
           table_0, table_1, table_2, table_3, table_4, table_5, table_6,
           table_7, ln_gamma, ln_beta, W_num, b_num, W_final, b_final):
    emb_a = _SC_GATHER_H(idx_0, idx_1, idx_2, idx_3,
                         table_0, table_1, table_2, table_3)
    emb_b = _SC_GATHER_H(idx_4, idx_5, idx_6, idx_7,
                         table_4, table_5, table_6, table_7)
    gam = ln_gamma.reshape(1, ND)
    bet = ln_beta.reshape(1, ND)
    bn = b_num.reshape(1, P)
    bf = b_final.reshape(1, P)
    wcat = W_final[:FIELDS * D]
    wnum = W_final[FIELDS * D:]
    out = pl.pallas_call(
        _tc_body,
        grid=(B // _BS,),
        in_specs=[
            pl.BlockSpec((_BS, FIELDS * D // 2), lambda i: (i, 0)),
            pl.BlockSpec((_BS, FIELDS * D // 2), lambda i: (i, 0)),
            pl.BlockSpec((_BS, ND), lambda i: (i, 0)),
            pl.BlockSpec((1, ND), lambda i: (0, 0)),
            pl.BlockSpec((1, ND), lambda i: (0, 0)),
            pl.BlockSpec((ND, P), lambda i: (0, 0)),
            pl.BlockSpec((1, P), lambda i: (0, 0)),
            pl.BlockSpec((FIELDS * D, P), lambda i: (0, 0)),
            pl.BlockSpec((P, P), lambda i: (0, 0)),
            pl.BlockSpec((1, P), lambda i: (0, 0)),
        ],
        out_specs=pl.BlockSpec((_BS, P), lambda i: (i, 0)),
        out_shape=jax.ShapeDtypeStruct((B, P), jnp.float32),
    )(emb_a, emb_b, numeric_input, gam, bet, W_num, bn, wcat, wnum, bf)
    return out

# --- scband reference (transcript-rebuilt; emitter-appended) ---
"""Pipeline reference for scband-shared-encoder-27101243638019 (READ-ONLY COPY).

The authoritative reference and input builder live on the scoring server;
editing this copy changes nothing except your own understanding.
"""

import jax, jax.numpy as jnp
import numpy as np

FIELDS = 8
B = 16384
V = 100000
D = 32
ND = 64
P = 128


def setup_inputs(seed: int = 0) -> dict:
    key = jax.random.key(seed)
    inp = {}
    for i in range(FIELDS):
        inp[f"idx_{i}"] = jax.random.randint(jax.random.fold_in(key, i), (B,), 0, V, dtype=jnp.int32)
    inp["numeric_input"] = jax.random.normal(jax.random.fold_in(key, 100), (B, ND), dtype=jnp.float32)
    for i in range(FIELDS):
        inp[f"table_{i}"] = jax.random.normal(jax.random.fold_in(key, 200 + i), (V, D), dtype=jnp.float32) * 0.02
    inp["ln_gamma"] = jnp.ones((ND,), dtype=jnp.float32)
    inp["ln_beta"] = jnp.zeros((ND,), dtype=jnp.float32)
    inp["W_num"] = jax.random.normal(jax.random.fold_in(key, 300), (ND, P), dtype=jnp.float32) * 0.05
    inp["b_num"] = jnp.zeros((P,), dtype=jnp.float32)
    inp["W_final"] = jax.random.normal(jax.random.fold_in(key, 301), (FIELDS * D + P, P), dtype=jnp.float32) * 0.05
    inp["b_final"] = jnp.zeros((P,), dtype=jnp.float32)
    return inp


def _layernorm(x, gamma, beta, eps=1e-5):
    mu = jnp.mean(x, axis=-1, keepdims=True)
    var = jnp.mean((x - mu) ** 2, axis=-1, keepdims=True)
    return (x - mu) / jnp.sqrt(var + eps) * gamma + beta


def reference(idx_0, idx_1, idx_2, idx_3, idx_4, idx_5, idx_6, idx_7,
              numeric_input,
              table_0, table_1, table_2, table_3, table_4, table_5, table_6, table_7,
              ln_gamma, ln_beta, W_num, b_num, W_final, b_final) -> jnp.ndarray:
    tables = [table_0, table_1, table_2, table_3, table_4, table_5, table_6, table_7]
    idxs = [idx_0, idx_1, idx_2, idx_3, idx_4, idx_5, idx_6, idx_7]
    # Categorical embedding lookups (SparseCore gather) in ModuleDict order
    emb_outs = []
    for i in range(FIELDS):
        table = tables[i]
        idx = idxs[i]
        emb_outs.append(jnp.take(table, idx, axis=0))
    cat_feat = jnp.concatenate(emb_outs, axis=-1)  # [B, FIELDS*D]
    # NumericBlock: LayerNorm -> Linear -> ReLU
    num = _layernorm(numeric_input, ln_gamma, ln_beta)
    num_feat = jax.nn.relu(num @ W_num + b_num)  # [B, P]
    x = jnp.concatenate([cat_feat, num_feat], axis=-1)  # [B, FIELDS*D + P]
    # final_proj: Linear -> ReLU
    out = jax.nn.relu(x @ W_final + b_final)  # [B, P]
    return out

if __name__ == "__main__":
    import jax
    _d = setup_inputs()
    print(jax.jit(kernel)(*tuple(_d.values())))

</pallas_src>

<mosaic_0001>
#map = affine_map<(d0, d1) -> (0)>
#map1 = affine_map<(d0, d1) -> (0, 0)>
module attributes {stable_mosaic.version = 14 : i64} {
  func.func @sc_gather(%arg0: i32, %arg1: i32, %arg2: memref<16384xi32, #tpu.memory_space<hbm>>, %arg3: memref<16384xi32, #tpu.memory_space<hbm>>, %arg4: memref<16384xi32, #tpu.memory_space<hbm>>, %arg5: memref<16384xi32, #tpu.memory_space<hbm>>, %arg6: memref<100000x32xf32, #tpu.memory_space<hbm>>, %arg7: memref<100000x32xf32, #tpu.memory_space<hbm>>, %arg8: memref<100000x32xf32, #tpu.memory_space<hbm>>, %arg9: memref<100000x32xf32, #tpu.memory_space<hbm>>, %arg10: memref<16384x128xf32, #tpu.memory_space<hbm>>, %arg11: memref<512xi32, #tpu.memory_space<vmem>>, %arg12: memref<512x32xf32, #tpu.memory_space<vmem>>, %arg13: memref<!tpu.dma_semaphore, #tpu.memory_space<semaphore_mem>>) attributes {dimension_semantics = [#tpu.dimension_semantics<core_parallel>, #tpu.dimension_semantics<subcore_parallel>], iteration_bounds = array<i64: 2, 16>, scalar_prefetch = 0 : i64, scratch_operands = 3 : i64, tpu.core_type = #tpu.core_type<sc_vector_subcore>, window_params = [{transform_indices = #map}, {transform_indices = #map}, {transform_indices = #map}, {transform_indices = #map}, {transform_indices = #map1}, {transform_indices = #map1}, {transform_indices = #map1}, {transform_indices = #map1}, {transform_indices = #map1}]} {
    %mul3A = arith.constant 2 : i32
    %mul3A_0 = arith.muli %arg1, %mul3A : i32
    %add3A = arith.addi %mul3A_0, %arg0 : i32
    %mul3A_1 = arith.constant 512 : i32
    %mul3A_2 = arith.muli %add3A, %mul3A_1 : i32
    "tpu.region"() ({
      %run_scoped3A = tpu.sem_alloc : memref<!tpu.dma_semaphore, #tpu.memory_space<semaphore_mem>>
      %dma_start3A_25 = tpu.memref_slice %arg2[%mul3A_2] : memref<16384xi32, #tpu.memory_space<hbm>> -> memref<512xi32, #tpu.memory_space<hbm>>
      %dma_start3A_26 = tpu.memref_slice %arg2[%mul3A_2] : memref<16384xi32, #tpu.memory_space<hbm>> -> memref<512xi32, #tpu.memory_space<hbm>>
      tpu.enqueue_dma source(%dma_start3A_26 : memref<512xi32, #tpu.memory_space<hbm>>) target(%arg11 : memref<512xi32, #tpu.memory_space<vmem>>) target_semaphore(%run_scoped3A : memref<!tpu.dma_semaphore, #tpu.memory_space<semaphore_mem>>)
      %dma_wait3A_27 = tpu.memref_slice %arg2[%mul3A_2] : memref<16384xi32, #tpu.memory_space<hbm>> -> memref<512xi32, #tpu.memory_space<hbm>>
      %dma_wait3A_28 = tpu.memref_slice %arg2[%mul3A_2] : memref<16384xi32, #tpu.memory_space<hbm>> -> memref<512xi32, #tpu.memory_space<hbm>>
      tpu.wait_dma2 semaphore(%run_scoped3A : memref<!tpu.dma_semaphore, #tpu.memory_space<semaphore_mem>>) src(%dma_wait3A_28 : memref<512xi32, #tpu.memory_space<hbm>>) dst(%arg11 : memref<512xi32, #tpu.memory_space<vmem>>)
      tpu.yield
    }) : () -> ()
    %dma_start3A = arith.constant 0 : i32
    %dma_start3A_3 = arith.constant 0 : i32
    %dma_start3A_4 = tpu.memref_slice %arg6[%dma_start3A, %dma_start3A_3] : memref<100000x32xf32, #tpu.memory_space<hbm>> -> memref<100000x32xf32, #tpu.memory_space<hbm>>
    tpu.enqueue_indirect_dma source(%dma_start3A_4 : memref<100000x32xf32, #tpu.memory_space<hbm>>) target(%arg12 : memref<512x32xf32, #tpu.memory_space<vmem>>) offsets(%arg11 : memref<512xi32, #tpu.memory_space<vmem>>) semaphore(%arg13 : memref<!tpu.dma_semaphore, #tpu.memory_space<semaphore_mem>>)
    %dma_wait3A = arith.constant 0 : i32
    %dma_wait3A_5 = arith.constant 0 : i32
    %dma_wait3A_6 = tpu.memref_slice %arg6[%dma_wait3A, %dma_wait3A_5] : memref<100000x32xf32, #tpu.memory_space<hbm>> -> memref<100000x32xf32, #tpu.memory_space<hbm>>
    tpu.wait_indirect_dma semaphore(%arg13 : memref<!tpu.dma_semaphore, #tpu.memory_space<semaphore_mem>>) src(%dma_wait3A_6 : memref<100000x32xf32, #tpu.memory_space<hbm>>) dst(%arg12 : memref<512x32xf32, #tpu.memory_space<vmem>>)
    "tpu.region"() ({
      %run_scoped3A = tpu.sem_alloc : memref<!tpu.dma_semaphore, #tpu.memory_space<semaphore_mem>>
      %dma_start3A_25 = arith.constant 0 : i32
      %dma_start3A_26 = tpu.memref_slice %arg10[%mul3A_2, %dma_start3A_25] : memref<16384x128xf32, #tpu.memory_space<hbm>> -> memref<512x32xf32, #tpu.memory_space<hbm>>
      %dma_start3A_27 = arith.constant 0 : i32
      %dma_start3A_28 = tpu.memref_slice %arg10[%mul3A_2, %dma_start3A_27] : memref<16384x128xf32, #tpu.memory_space<hbm>> -> memref<512x32xf32, #tpu.memory_space<hbm>>
      tpu.enqueue_dma source(%arg12 : memref<512x32xf32, #tpu.memory_space<vmem>>) target(%dma_start3A_28 : memref<512x32xf32, #tpu.memory_space<hbm>>) target_semaphore(%run_scoped3A : memref<!tpu.dma_semaphore, #tpu.memory_space<semaphore_mem>>)
      %dma_wait3A_29 = arith.constant 0 : i32
      %dma_wait3A_30 = tpu.memref_slice %arg10[%mul3A_2, %dma_wait3A_29] : memref<16384x128xf32, #tpu.memory_space<hbm>> -> memref<512x32xf32, #tpu.memory_space<hbm>>
      %dma_wait3A_31 = arith.constant 0 : i32
      %dma_wait3A_32 = tpu.memref_slice %arg10[%mul3A_2, %dma_wait3A_31] : memref<16384x128xf32, #tpu.memory_space<hbm>> -> memref<512x32xf32, #tpu.memory_space<hbm>>
      tpu.wait_dma2 semaphore(%run_scoped3A : memref<!tpu.dma_semaphore, #tpu.memory_space<semaphore_mem>>) src(%arg12 : memref<512x32xf32, #tpu.memory_space<vmem>>) dst(%dma_wait3A_32 : memref<512x32xf32, #tpu.memory_space<hbm>>)
      tpu.yield
    }) : () -> ()
    "tpu.region"() ({
      %run_scoped3A = tpu.sem_alloc : memref<!tpu.dma_semaphore, #tpu.memory_space<semaphore_mem>>
      %dma_start3A_25 = tpu.memref_slice %arg3[%mul3A_2] : memref<16384xi32, #tpu.memory_space<hbm>> -> memref<512xi32, #tpu.memory_space<hbm>>
      %dma_start3A_26 = tpu.memref_slice %arg3[%mul3A_2] : memref<16384xi32, #tpu.memory_space<hbm>> -> memref<512xi32, #tpu.memory_space<hbm>>
      tpu.enqueue_dma source(%dma_start3A_26 : memref<512xi32, #tpu.memory_space<hbm>>) target(%arg11 : memref<512xi32, #tpu.memory_space<vmem>>) target_semaphore(%run_scoped3A : memref<!tpu.dma_semaphore, #tpu.memory_space<semaphore_mem>>)
      %dma_wait3A_27 = tpu.memref_slice %arg3[%mul3A_2] : memref<16384xi32, #tpu.memory_space<hbm>> -> memref<512xi32, #tpu.memory_space<hbm>>
      %dma_wait3A_28 = tpu.memref_slice %arg3[%mul3A_2] : memref<16384xi32, #tpu.memory_space<hbm>> -> memref<512xi32, #tpu.memory_space<hbm>>
      tpu.wait_dma2 semaphore(%run_scoped3A : memref<!tpu.dma_semaphore, #tpu.memory_space<semaphore_mem>>) src(%dma_wait3A_28 : memref<512xi32, #tpu.memory_space<hbm>>) dst(%arg11 : memref<512xi32, #tpu.memory_space<vmem>>)
      tpu.yield
    }) : () -> ()
    %dma_start3A_7 = arith.constant 0 : i32
    %dma_start3A_8 = arith.constant 0 : i32
    %dma_start3A_9 = tpu.memref_slice %arg7[%dma_start3A_7, %dma_start3A_8] : memref<100000x32xf32, #tpu.memory_space<hbm>> -> memref<100000x32xf32, #tpu.memory_space<hbm>>
    tpu.enqueue_indirect_dma source(%dma_start3A_9 : memref<100000x32xf32, #tpu.memory_space<hbm>>) target(%arg12 : memref<512x32xf32, #tpu.memory_space<vmem>>) offsets(%arg11 : memref<512xi32, #tpu.memory_space<vmem>>) semaphore(%arg13 : memref<!tpu.dma_semaphore, #tpu.memory_space<semaphore_mem>>)
    %dma_wait3A_10 = arith.constant 0 : i32
    %dma_wait3A_11 = arith.constant 0 : i32
    %dma_wait3A_12 = tpu.memref_slice %arg7[%dma_wait3A_10, %dma_wait3A_11] : memref<100000x32xf32, #tpu.memory_space<hbm>> -> memref<100000x32xf32, #tpu.memory_space<hbm>>
    tpu.wait_indirect_dma semaphore(%arg13 : memref<!tpu.dma_semaphore, #tpu.memory_space<semaphore_mem>>) src(%dma_wait3A_12 : memref<100000x32xf32, #tpu.memory_space<hbm>>) dst(%arg12 : memref<512x32xf32, #tpu.memory_space<vmem>>)
    "tpu.region"() ({
      %run_scoped3A = tpu.sem_alloc : memref<!tpu.dma_semaphore, #tpu.memory_space<semaphore_mem>>
      %dma_start3A_25 = arith.constant 32 : i32
      %dma_start3A_26 = tpu.memref_slice %arg10[%mul3A_2, %dma_start3A_25] : memref<16384x128xf32, #tpu.memory_space<hbm>> -> memref<512x32xf32, #tpu.memory_space<hbm>>
      %dma_start3A_27 = arith.constant 32 : i32
      %dma_start3A_28 = tpu.memref_slice %arg10[%mul3A_2, %dma_start3A_27] : memref<16384x128xf32, #tpu.memory_space<hbm>> -> memref<512x32xf32, #tpu.memory_space<hbm>>
      tpu.enqueue_dma source(%arg12 : memref<512x32xf32, #tpu.memory_space<vmem>>) target(%dma_start3A_28 : memref<512x32xf32, #tpu.memory_space<hbm>>) target_semaphore(%run_scoped3A : memref<!tpu.dma_semaphore, #tpu.memory_space<semaphore_mem>>)
      %dma_wait3A_29 = arith.constant 32 : i32
      %dma_wait3A_30 = tpu.memref_slice %arg10[%mul3A_2, %dma_wait3A_29] : memref<16384x128xf32, #tpu.memory_space<hbm>> -> memref<512x32xf32, #tpu.memory_space<hbm>>
      %dma_wait3A_31 = arith.constant 32 : i32
      %dma_wait3A_32 = tpu.memref_slice %arg10[%mul3A_2, %dma_wait3A_31] : memref<16384x128xf32, #tpu.memory_space<hbm>> -> memref<512x32xf32, #tpu.memory_space<hbm>>
      tpu.wait_dma2 semaphore(%run_scoped3A : memref<!tpu.dma_semaphore, #tpu.memory_space<semaphore_mem>>) src(%arg12 : memref<512x32xf32, #tpu.memory_space<vmem>>) dst(%dma_wait3A_32 : memref<512x32xf32, #tpu.memory_space<hbm>>)
      tpu.yield
    }) : () -> ()
    "tpu.region"() ({
      %run_scoped3A = tpu.sem_alloc : memref<!tpu.dma_semaphore, #tpu.memory_space<semaphore_mem>>
      %dma_start3A_25 = tpu.memref_slice %arg4[%mul3A_2] : memref<16384xi32, #tpu.memory_space<hbm>> -> memref<512xi32, #tpu.memory_space<hbm>>
      %dma_start3A_26 = tpu.memref_slice %arg4[%mul3A_2] : memref<16384xi32, #tpu.memory_space<hbm>> -> memref<512xi32, #tpu.memory_space<hbm>>
      tpu.enqueue_dma source(%dma_start3A_26 : memref<512xi32, #tpu.memory_space<hbm>>) target(%arg11 : memref<512xi32, #tpu.memory_space<vmem>>) target_semaphore(%run_scoped3A : memref<!tpu.dma_semaphore, #tpu.memory_space<semaphore_mem>>)
      %dma_wait3A_27 = tpu.memref_slice %arg4[%mul3A_2] : memref<16384xi32, #tpu.memory_space<hbm>> -> memref<512xi32, #tpu.memory_space<hbm>>
      %dma_wait3A_28 = tpu.memref_slice %arg4[%mul3A_2] : memref<16384xi32, #tpu.memory_space<hbm>> -> memref<512xi32, #tpu.memory_space<hbm>>
      tpu.wait_dma2 semaphore(%run_scoped3A : memref<!tpu.dma_semaphore, #tpu.memory_space<semaphore_mem>>) src(%dma_wait3A_28 : memref<512xi32, #tpu.memory_space<hbm>>) dst(%arg11 : memref<512xi32, #tpu.memory_space<vmem>>)
      tpu.yield
    }) : () -> ()
    %dma_start3A_13 = arith.constant 0 : i32
    %dma_start3A_14 = arith.constant 0 : i32
    %dma_start3A_15 = tpu.memref_slice %arg8[%dma_start3A_13, %dma_start3A_14] : memref<100000x32xf32, #tpu.memory_space<hbm>> -> memref<100000x32xf32, #tpu.memory_space<hbm>>
    tpu.enqueue_indirect_dma source(%dma_start3A_15 : memref<100000x32xf32, #tpu.memory_space<hbm>>) target(%arg12 : memref<512x32xf32, #tpu.memory_space<vmem>>) offsets(%arg11 : memref<512xi32, #tpu.memory_space<vmem>>) semaphore(%arg13 : memref<!tpu.dma_semaphore, #tpu.memory_space<semaphore_mem>>)
    %dma_wait3A_16 = arith.constant 0 : i32
    %dma_wait3A_17 = arith.constant 0 : i32
    %dma_wait3A_18 = tpu.memref_slice %arg8[%dma_wait3A_16, %dma_wait3A_17] : memref<100000x32xf32, #tpu.memory_space<hbm>> -> memref<100000x32xf32, #tpu.memory_space<hbm>>
    tpu.wait_indirect_dma semaphore(%arg13 : memref<!tpu.dma_semaphore, #tpu.memory_space<semaphore_mem>>) src(%dma_wait3A_18 : memref<100000x32xf32, #tpu.memory_space<hbm>>) dst(%arg12 : memref<512x32xf32, #tpu.memory_space<vmem>>)
    "tpu.region"() ({
      %run_scoped3A = tpu.sem_alloc : memref<!tpu.dma_semaphore, #tpu.memory_space<semaphore_mem>>
      %dma_start3A_25 = arith.constant 64 : i32
      %dma_start3A_26 = tpu.memref_slice %arg10[%mul3A_2, %dma_start3A_25] : memref<16384x128xf32, #tpu.memory_space<hbm>> -> memref<512x32xf32, #tpu.memory_space<hbm>>
      %dma_start3A_27 = arith.constant 64 : i32
      %dma_start3A_28 = tpu.memref_slice %arg10[%mul3A_2, %dma_start3A_27] : memref<16384x128xf32, #tpu.memory_space<hbm>> -> memref<512x32xf32, #tpu.memory_space<hbm>>
      tpu.enqueue_dma source(%arg12 : memref<512x32xf32, #tpu.memory_space<vmem>>) target(%dma_start3A_28 : memref<512x32xf32, #tpu.memory_space<hbm>>) target_semaphore(%run_scoped3A : memref<!tpu.dma_semaphore, #tpu.memory_space<semaphore_mem>>)
      %dma_wait3A_29 = arith.constant 64 : i32
      %dma_wait3A_30 = tpu.memref_slice %arg10[%mul3A_2, %dma_wait3A_29] : memref<16384x128xf32, #tpu.memory_space<hbm>> -> memref<512x32xf32, #tpu.memory_space<hbm>>
      %dma_wait3A_31 = arith.constant 64 : i32
      %dma_wait3A_32 = tpu.memref_slice %arg10[%mul3A_2, %dma_wait3A_31] : memref<16384x128xf32, #tpu.memory_space<hbm>> -> memref<512x32xf32, #tpu.memory_space<hbm>>
      tpu.wait_dma2 semaphore(%run_scoped3A : memref<!tpu.dma_semaphore, #tpu.memory_space<semaphore_mem>>) src(%arg12 : memref<512x32xf32, #tpu.memory_space<vmem>>) dst(%dma_wait3A_32 : memref<512x32xf32, #tpu.memory_space<hbm>>)
      tpu.yield
    }) : () -> ()
    "tpu.region"() ({
      %run_scoped3A = tpu.sem_alloc : memref<!tpu.dma_semaphore, #tpu.memory_space<semaphore_mem>>
      %dma_start3A_25 = tpu.memref_slice %arg5[%mul3A_2] : memref<16384xi32, #tpu.memory_space<hbm>> -> memref<512xi32, #tpu.memory_space<hbm>>
      %dma_start3A_26 = tpu.memref_slice %arg5[%mul3A_2] : memref<16384xi32, #tpu.memory_space<hbm>> -> memref<512xi32, #tpu.memory_space<hbm>>
      tpu.enqueue_dma source(%dma_start3A_26 : memref<512xi32, #tpu.memory_space<hbm>>) target(%arg11 : memref<512xi32, #tpu.memory_space<vmem>>) target_semaphore(%run_scoped3A : memref<!tpu.dma_semaphore, #tpu.memory_space<semaphore_mem>>)
      %dma_wait3A_27 = tpu.memref_slice %arg5[%mul3A_2] : memref<16384xi32, #tpu.memory_space<hbm>> -> memref<512xi32, #tpu.memory_space<hbm>>
      %dma_wait3A_28 = tpu.memref_slice %arg5[%mul3A_2] : memref<16384xi32, #tpu.memory_space<hbm>> -> memref<512xi32, #tpu.memory_space<hbm>>
      tpu.wait_dma2 semaphore(%run_scoped3A : memref<!tpu.dma_semaphore, #tpu.memory_space<semaphore_mem>>) src(%dma_wait3A_28 : memref<512xi32, #tpu.memory_space<hbm>>) dst(%arg11 : memref<512xi32, #tpu.memory_space<vmem>>)
      tpu.yield
    }) : () -> ()
    %dma_start3A_19 = arith.constant 0 : i32
    %dma_start3A_20 = arith.constant 0 : i32
    %dma_start3A_21 = tpu.memref_slice %arg9[%dma_start3A_19, %dma_start3A_20] : memref<100000x32xf32, #tpu.memory_space<hbm>> -> memref<100000x32xf32, #tpu.memory_space<hbm>>
    tpu.enqueue_indirect_dma source(%dma_start3A_21 : memref<100000x32xf32, #tpu.memory_space<hbm>>) target(%arg12 : memref<512x32xf32, #tpu.memory_space<vmem>>) offsets(%arg11 : memref<512xi32, #tpu.memory_space<vmem>>) semaphore(%arg13 : memref<!tpu.dma_semaphore, #tpu.memory_space<semaphore_mem>>)
    %dma_wait3A_22 = arith.constant 0 : i32
    %dma_wait3A_23 = arith.constant 0 : i32
    %dma_wait3A_24 = tpu.memref_slice %arg9[%dma_wait3A_22, %dma_wait3A_23] : memref<100000x32xf32, #tpu.memory_space<hbm>> -> memref<100000x32xf32, #tpu.memory_space<hbm>>
    tpu.wait_indirect_dma semaphore(%arg13 : memref<!tpu.dma_semaphore, #tpu.memory_space<semaphore_mem>>) src(%dma_wait3A_24 : memref<100000x32xf32, #tpu.memory_space<hbm>>) dst(%arg12 : memref<512x32xf32, #tpu.memory_space<vmem>>)
    "tpu.region"() ({
      %run_scoped3A = tpu.sem_alloc : memref<!tpu.dma_semaphore, #tpu.memory_space<semaphore_mem>>
      %dma_start3A_25 = arith.constant 96 : i32
      %dma_start3A_26 = tpu.memref_slice %arg10[%mul3A_2, %dma_start3A_25] : memref<16384x128xf32, #tpu.memory_space<hbm>> -> memref<512x32xf32, #tpu.memory_space<hbm>>
      %dma_start3A_27 = arith.constant 96 : i32
      %dma_start3A_28 = tpu.memref_slice %arg10[%mul3A_2, %dma_start3A_27] : memref<16384x128xf32, #tpu.memory_space<hbm>> -> memref<512x32xf32, #tpu.memory_space<hbm>>
      tpu.enqueue_dma source(%arg12 : memref<512x32xf32, #tpu.memory_space<vmem>>) target(%dma_start3A_28 : memref<512x32xf32, #tpu.memory_space<hbm>>) target_semaphore(%run_scoped3A : memref<!tpu.dma_semaphore, #tpu.memory_space<semaphore_mem>>)
      %dma_wait3A_29 = arith.constant 96 : i32
      %dma_wait3A_30 = tpu.memref_slice %arg10[%mul3A_2, %dma_wait3A_29] : memref<16384x128xf32, #tpu.memory_space<hbm>> -> memref<512x32xf32, #tpu.memory_space<hbm>>
      %dma_wait3A_31 = arith.constant 96 : i32
      %dma_wait3A_32 = tpu.memref_slice %arg10[%mul3A_2, %dma_wait3A_31] : memref<16384x128xf32, #tpu.memory_space<hbm>> -> memref<512x32xf32, #tpu.memory_space<hbm>>
      tpu.wait_dma2 semaphore(%run_scoped3A : memref<!tpu.dma_semaphore, #tpu.memory_space<semaphore_mem>>) src(%arg12 : memref<512x32xf32, #tpu.memory_space<vmem>>) dst(%dma_wait3A_32 : memref<512x32xf32, #tpu.memory_space<hbm>>)
      tpu.yield
    }) : () -> ()
    return
  }
}

#map = affine_map<(d0, d1) -> (0)>
#map1 = affine_map<(d0, d1) -> (0, 0)>
module attributes {stable_mosaic.version = 14 : i64} {
  func.func @sc_gather(%arg0: i32, %arg1: i32, %arg2: memref<16384xi32, #tpu.memory_space<hbm>>, %arg3: memref<16384xi32, #tpu.memory_space<hbm>>, %arg4: memref<16384xi32, #tpu.memory_space<hbm>>, %arg5: memref<16384xi32, #tpu.memory_space<hbm>>, %arg6: memref<100000x32xf32, #tpu.memory_space<hbm>>, %arg7: memref<100000x32xf32, #tpu.memory_space<hbm>>, %arg8: memref<100000x32xf32, #tpu.memory_space<hbm>>, %arg9: memref<100000x32xf32, #tpu.memory_space<hbm>>, %arg10: memref<16384x128xf32, #tpu.memory_space<hbm>>, %arg11: memref<512xi32, #tpu.memory_space<vmem>>, %arg12: memref<512x32xf32, #tpu.memory_space<vmem>>, %arg13: memref<!tpu.dma_semaphore, #tpu.memory_space<semaphore_mem>>) attributes {dimension_semantics = [#tpu.dimension_semantics<core_parallel>, #tpu.dimension_semantics<subcore_parallel>], iteration_bounds = array<i64: 2, 16>, scalar_prefetch = 0 : i64, scratch_operands = 3 : i64, tpu.core_type = #tpu.core_type<sc_vector_subcore>, window_params = [{transform_indices = #map}, {transform_indices = #map}, {transform_indices = #map}, {transform_indices = #map}, {transform_indices = #map1}, {transform_indices = #map1}, {transform_indices = #map1}, {transform_indices = #map1}, {transform_indices = #map1}]} {
    %mul3A = arith.constant 2 : i32
    %mul3A_0 = arith.muli %arg1, %mul3A : i32
    %add3A = arith.addi %mul3A_0, %arg0 : i32
    %mul3A_1 = arith.constant 512 : i32
    %mul3A_2 = arith.muli %add3A, %mul3A_1 : i32
    "tpu.region"() ({
      %run_scoped3A = tpu.sem_alloc : memref<!tpu.dma_semaphore, #tpu.memory_space<semaphore_mem>>
      %dma_start3A_25 = tpu.memref_slice %arg2[%mul3A_2] : memref<16384xi32, #tpu.memory_space<hbm>> -> memref<512xi32, #tpu.memory_space<hbm>>
      %dma_start3A_26 = tpu.memref_slice %arg2[%mul3A_2] : memref<16384xi32, #tpu.memory_space<hbm>> -> memref<512xi32, #tpu.memory_space<hbm>>
      tpu.enqueue_dma source(%dma_start3A_26 : memref<512xi32, #tpu.memory_space<hbm>>) target(%arg11 : memref<512xi32, #tpu.memory_space<vmem>>) target_semaphore(%run_scoped3A : memref<!tpu.dma_semaphore, #tpu.memory_space<semaphore_mem>>)
      %dma_wait3A_27 = tpu.memref_slice %arg2[%mul3A_2] : memref<16384xi32, #tpu.memory_space<hbm>> -> memref<512xi32, #tpu.memory_space<hbm>>
      %dma_wait3A_28 = tpu.memref_slice %arg2[%mul3A_2] : memref<16384xi32, #tpu.memory_space<hbm>> -> memref<512xi32, #tpu.memory_space<hbm>>
      tpu.wait_dma2 semaphore(%run_scoped3A : memref<!tpu.dma_semaphore, #tpu.memory_space<semaphore_mem>>) src(%dma_wait3A_28 : memref<512xi32, #tpu.memory_space<hbm>>) dst(%arg11 : memref<512xi32, #tpu.memory_space<vmem>>)
      tpu.yield
    }) : () -> ()
    %dma_start3A = arith.constant 0 : i32
    %dma_start3A_3 = arith.constant 0 : i32
    %dma_start3A_4 = tpu.memref_slice %arg6[%dma_start3A, %dma_start3A_3] : memref<100000x32xf32, #tpu.memory_space<hbm>> -> memref<100000x32xf32, #tpu.memory_space<hbm>>
    tpu.enqueue_indirect_dma source(%dma_start3A_4 : memref<100000x32xf32, #tpu.memory_space<hbm>>) target(%arg12 : memref<512x32xf32, #tpu.memory_space<vmem>>) offsets(%arg11 : memref<512xi32, #tpu.memory_space<vmem>>) semaphore(%arg13 : memref<!tpu.dma_semaphore, #tpu.memory_space<semaphore_mem>>)
    %dma_wait3A = arith.constant 0 : i32
    %dma_wait3A_5 = arith.constant 0 : i32
    %dma_wait3A_6 = tpu.memref_slice %arg6[%dma_wait3A, %dma_wait3A_5] : memref<100000x32xf32, #tpu.memory_space<hbm>> -> memref<100000x32xf32, #tpu.memory_space<hbm>>
    tpu.wait_indirect_dma semaphore(%arg13 : memref<!tpu.dma_semaphore, #tpu.memory_space<semaphore_mem>>) src(%dma_wait3A_6 : memref<100000x32xf32, #tpu.memory_space<hbm>>) dst(%arg12 : memref<512x32xf32, #tpu.memory_space<vmem>>)
    "tpu.region"() ({
      %run_scoped3A = tpu.sem_alloc : memref<!tpu.dma_semaphore, #tpu.memory_space<semaphore_mem>>
      %dma_start3A_25 = arith.constant 0 : i32
      %dma_start3A_26 = tpu.memref_slice %arg10[%mul3A_2, %dma_start3A_25] : memref<16384x128xf32, #tpu.memory_space<hbm>> -> memref<512x32xf32, #tpu.memory_space<hbm>>
      %dma_start3A_27 = arith.constant 0 : i32
      %dma_start3A_28 = tpu.memref_slice %arg10[%mul3A_2, %dma_start3A_27] : memref<16384x128xf32, #tpu.memory_space<hbm>> -> memref<512x32xf32, #tpu.memory_space<hbm>>
      tpu.enqueue_dma source(%arg12 : memref<512x32xf32, #tpu.memory_space<vmem>>) target(%dma_start3A_28 : memref<512x32xf32, #tpu.memory_space<hbm>>) target_semaphore(%run_scoped3A : memref<!tpu.dma_semaphore, #tpu.memory_space<semaphore_mem>>)
      %dma_wait3A_29 = arith.constant 0 : i32
      %dma_wait3A_30 = tpu.memref_slice %arg10[%mul3A_2, %dma_wait3A_29] : memref<16384x128xf32, #tpu.memory_space<hbm>> -> memref<512x32xf32, #tpu.memory_space<hbm>>
      %dma_wait3A_31 = arith.constant 0 : i32
      %dma_wait3A_32 = tpu.memref_slice %arg10[%mul3A_2, %dma_wait3A_31] : memref<16384x128xf32, #tpu.memory_space<hbm>> -> memref<512x32xf32, #tpu.memory_space<hbm>>
      tpu.wait_dma2 semaphore(%run_scoped3A : memref<!tpu.dma_semaphore, #tpu.memory_space<semaphore_mem>>) src(%arg12 : memref<512x32xf32, #tpu.memory_space<vmem>>) dst(%dma_wait3A_32 : memref<512x32xf32, #tpu.memory_space<hbm>>)
      tpu.yield
    }) : () -> ()
    "tpu.region"() ({
      %run_scoped3A = tpu.sem_alloc : memref<!tpu.dma_semaphore, #tpu.memory_space<semaphore_mem>>
      %dma_start3A_25 = tpu.memref_slice %arg3[%mul3A_2] : memref<16384xi32, #tpu.memory_space<hbm>> -> memref<512xi32, #tpu.memory_space<hbm>>
      %dma_start3A_26 = tpu.memref_slice %arg3[%mul3A_2] : memref<16384xi32, #tpu.memory_space<hbm>> -> memref<512xi32, #tpu.memory_space<hbm>>
      tpu.enqueue_dma source(%dma_start3A_26 : memref<512xi32, #tpu.memory_space<hbm>>) target(%arg11 : memref<512xi32, #tpu.memory_space<vmem>>) target_semaphore(%run_scoped3A : memref<!tpu.dma_semaphore, #tpu.memory_space<semaphore_mem>>)
      %dma_wait3A_27 = tpu.memref_slice %arg3[%mul3A_2] : memref<16384xi32, #tpu.memory_space<hbm>> -> memref<512xi32, #tpu.memory_space<hbm>>
      %dma_wait3A_28 = tpu.memref_slice %arg3[%mul3A_2] : memref<16384xi32, #tpu.memory_space<hbm>> -> memref<512xi32, #tpu.memory_space<hbm>>
      tpu.wait_dma2 semaphore(%run_scoped3A : memref<!tpu.dma_semaphore, #tpu.memory_space<semaphore_mem>>) src(%dma_wait3A_28 : memref<512xi32, #tpu.memory_space<hbm>>) dst(%arg11 : memref<512xi32, #tpu.memory_space<vmem>>)
      tpu.yield
    }) : () -> ()
    %dma_start3A_7 = arith.constant 0 : i32
    %dma_start3A_8 = arith.constant 0 : i32
    %dma_start3A_9 = tpu.memref_slice %arg7[%dma_start3A_7, %dma_start3A_8] : memref<100000x32xf32, #tpu.memory_space<hbm>> -> memref<100000x32xf32, #tpu.memory_space<hbm>>
    tpu.enqueue_indirect_dma source(%dma_start3A_9 : memref<100000x32xf32, #tpu.memory_space<hbm>>) target(%arg12 : memref<512x32xf32, #tpu.memory_space<vmem>>) offsets(%arg11 : memref<512xi32, #tpu.memory_space<vmem>>) semaphore(%arg13 : memref<!tpu.dma_semaphore, #tpu.memory_space<semaphore_mem>>)
    %dma_wait3A_10 = arith.constant 0 : i32
    %dma_wait3A_11 = arith.constant 0 : i32
    %dma_wait3A_12 = tpu.memref_slice %arg7[%dma_wait3A_10, %dma_wait3A_11] : memref<100000x32xf32, #tpu.memory_space<hbm>> -> memref<100000x32xf32, #tpu.memory_space<hbm>>
    tpu.wait_indirect_dma semaphore(%arg13 : memref<!tpu.dma_semaphore, #tpu.memory_space<semaphore_mem>>) src(%dma_wait3A_12 : memref<100000x32xf32, #tpu.memory_space<hbm>>) dst(%arg12 : memref<512x32xf32, #tpu.memory_space<vmem>>)
    "tpu.region"() ({
      %run_scoped3A = tpu.sem_alloc : memref<!tpu.dma_semaphore, #tpu.memory_space<semaphore_mem>>
      %dma_start3A_25 = arith.constant 32 : i32
      %dma_start3A_26 = tpu.memref_slice %arg10[%mul3A_2, %dma_start3A_25] : memref<16384x128xf32, #tpu.memory_space<hbm>> -> memref<512x32xf32, #tpu.memory_space<hbm>>
      %dma_start3A_27 = arith.constant 32 : i32
      %dma_start3A_28 = tpu.memref_slice %arg10[%mul3A_2, %dma_start3A_27] : memref<16384x128xf32, #tpu.memory_space<hbm>> -> memref<512x32xf32, #tpu.memory_space<hbm>>
      tpu.enqueue_dma source(%arg12 : memref<512x32xf32, #tpu.memory_space<vmem>>) target(%dma_start3A_28 : memref<512x32xf32, #tpu.memory_space<hbm>>) target_semaphore(%run_scoped3A : memref<!tpu.dma_semaphore, #tpu.memory_space<semaphore_mem>>)
      %dma_wait3A_29 = arith.constant 32 : i32
      %dma_wait3A_30 = tpu.memref_slice %arg10[%mul3A_2, %dma_wait3A_29] : memref<16384x128xf32, #tpu.memory_space<hbm>> -> memref<512x32xf32, #tpu.memory_space<hbm>>
      %dma_wait3A_31 = arith.constant 32 : i32
      %dma_wait3A_32 = tpu.memref_slice %arg10[%mul3A_2, %dma_wait3A_31] : memref<16384x128xf32, #tpu.memory_space<hbm>> -> memref<512x32xf32, #tpu.memory_space<hbm>>
      tpu.wait_dma2 semaphore(%run_scoped3A : memref<!tpu.dma_semaphore, #tpu.memory_space<semaphore_mem>>) src(%arg12 : memref<512x32xf32, #tpu.memory_space<vmem>>) dst(%dma_wait3A_32 : memref<512x32xf32, #tpu.memory_space<hbm>>)
      tpu.yield
    }) : () -> ()
    "tpu.region"() ({
      %run_scoped3A = tpu.sem_alloc : memref<!tpu.dma_semaphore, #tpu.memory_space<semaphore_mem>>
      %dma_start3A_25 = tpu.memref_slice %arg4[%mul3A_2] : memref<16384xi32, #tpu.memory_space<hbm>> -> memref<512xi32, #tpu.memory_space<hbm>>
      %dma_start3A_26 = tpu.memref_slice %arg4[%mul3A_2] : memref<16384xi32, #tpu.memory_space<hbm>> -> memref<512xi32, #tpu.memory_space<hbm>>
      tpu.enqueue_dma source(%dma_start3A_26 : memref<512xi32, #tpu.memory_space<hbm>>) target(%arg11 : memref<512xi32, #tpu.memory_space<vmem>>) target_semaphore(%run_scoped3A : memref<!tpu.dma_semaphore, #tpu.memory_space<semaphore_mem>>)
      %dma_wait3A_27 = tpu.memref_slice %arg4[%mul3A_2] : memref<16384xi32, #tpu.memory_space<hbm>> -> memref<512xi32, #tpu.memory_space<hbm>>
      %dma_wait3A_28 = tpu.memref_slice %arg4[%mul3A_2] : memref<16384xi32, #tpu.memory_space<hbm>> -> memref<512xi32, #tpu.memory_space<hbm>>
      tpu.wait_dma2 semaphore(%run_scoped3A : memref<!tpu.dma_semaphore, #tpu.memory_space<semaphore_mem>>) src(%dma_wait3A_28 : memref<512xi32, #tpu.memory_space<hbm>>) dst(%arg11 : memref<512xi32, #tpu.memory_space<vmem>>)
      tpu.yield
    }) : () -> ()
    %dma_start3A_13 = arith.constant 0 : i32
    %dma_start3A_14 = arith.constant 0 : i32
    %dma_start3A_15 = tpu.memref_slice %arg8[%dma_start3A_13, %dma_start3A_14] : memref<100000x32xf32, #tpu.memory_space<hbm>> -> memref<100000x32xf32, #tpu.memory_space<hbm>>
    tpu.enqueue_indirect_dma source(%dma_start3A_15 : memref<100000x32xf32, #tpu.memory_space<hbm>>) target(%arg12 : memref<512x32xf32, #tpu.memory_space<vmem>>) offsets(%arg11 : memref<512xi32, #tpu.memory_space<vmem>>) semaphore(%arg13 : memref<!tpu.dma_semaphore, #tpu.memory_space<semaphore_mem>>)
    %dma_wait3A_16 = arith.constant 0 : i32
    %dma_wait3A_17 = arith.constant 0 : i32
    %dma_wait3A_18 = tpu.memref_slice %arg8[%dma_wait3A_16, %dma_wait3A_17] : memref<100000x32xf32, #tpu.memory_space<hbm>> -> memref<100000x32xf32, #tpu.memory_space<hbm>>
    tpu.wait_indirect_dma semaphore(%arg13 : memref<!tpu.dma_semaphore, #tpu.memory_space<semaphore_mem>>) src(%dma_wait3A_18 : memref<100000x32xf32, #tpu.memory_space<hbm>>) dst(%arg12 : memref<512x32xf32, #tpu.memory_space<vmem>>)
    "tpu.region"() ({
      %run_scoped3A = tpu.sem_alloc : memref<!tpu.dma_semaphore, #tpu.memory_space<semaphore_mem>>
      %dma_start3A_25 = arith.constant 64 : i32
      %dma_start3A_26 = tpu.memref_slice %arg10[%mul3A_2, %dma_start3A_25] : memref<16384x128xf32, #tpu.memory_space<hbm>> -> memref<512x32xf32, #tpu.memory_space<hbm>>
      %dma_start3A_27 = arith.constant 64 : i32
      %dma_start3A_28 = tpu.memref_slice %arg10[%mul3A_2, %dma_start3A_27] : memref<16384x128xf32, #tpu.memory_space<hbm>> -> memref<512x32xf32, #tpu.memory_space<hbm>>
      tpu.enqueue_dma source(%arg12 : memref<512x32xf32, #tpu.memory_space<vmem>>) target(%dma_start3A_28 : memref<512x32xf32, #tpu.memory_space<hbm>>) target_semaphore(%run_scoped3A : memref<!tpu.dma_semaphore, #tpu.memory_space<semaphore_mem>>)
      %dma_wait3A_29 = arith.constant 64 : i32
      %dma_wait3A_30 = tpu.memref_slice %arg10[%mul3A_2, %dma_wait3A_29] : memref<16384x128xf32, #tpu.memory_space<hbm>> -> memref<512x32xf32, #tpu.memory_space<hbm>>
      %dma_wait3A_31 = arith.constant 64 : i32
      %dma_wait3A_32 = tpu.memref_slice %arg10[%mul3A_2, %dma_wait3A_31] : memref<16384x128xf32, #tpu.memory_space<hbm>> -> memref<512x32xf32, #tpu.memory_space<hbm>>
      tpu.wait_dma2 semaphore(%run_scoped3A : memref<!tpu.dma_semaphore, #tpu.memory_space<semaphore_mem>>) src(%arg12 : memref<512x32xf32, #tpu.memory_space<vmem>>) dst(%dma_wait3A_32 : memref<512x32xf32, #tpu.memory_space<hbm>>)
      tpu.yield
    }) : () -> ()
    "tpu.region"() ({
      %run_scoped3A = tpu.sem_alloc : memref<!tpu.dma_semaphore, #tpu.memory_space<semaphore_mem>>
      %dma_start3A_25 = tpu.memref_slice %arg5[%mul3A_2] : memref<16384xi32, #tpu.memory_space<hbm>> -> memref<512xi32, #tpu.memory_space<hbm>>
      %dma_start3A_26 = tpu.memref_slice %arg5[%mul3A_2] : memref<16384xi32, #tpu.memory_space<hbm>> -> memref<512xi32, #tpu.memory_space<hbm>>
      tpu.enqueue_dma source(%dma_start3A_26 : memref<512xi32, #tpu.memory_space<hbm>>) target(%arg11 : memref<512xi32, #tpu.memory_space<vmem>>) target_semaphore(%run_scoped3A : memref<!tpu.dma_semaphore, #tpu.memory_space<semaphore_mem>>)
      %dma_wait3A_27 = tpu.memref_slice %arg5[%mul3A_2] : memref<16384xi32, #tpu.memory_space<hbm>> -> memref<512xi32, #tpu.memory_space<hbm>>
      %dma_wait3A_28 = tpu.memref_slice %arg5[%mul3A_2] : memref<16384xi32, #tpu.memory_space<hbm>> -> memref<512xi32, #tpu.memory_space<hbm>>
      tpu.wait_dma2 semaphore(%run_scoped3A : memref<!tpu.dma_semaphore, #tpu.memory_space<semaphore_mem>>) src(%dma_wait3A_28 : memref<512xi32, #tpu.memory_space<hbm>>) dst(%arg11 : memref<512xi32, #tpu.memory_space<vmem>>)
      tpu.yield
    }) : () -> ()
    %dma_start3A_19 = arith.constant 0 : i32
    %dma_start3A_20 = arith.constant 0 : i32
    %dma_start3A_21 = tpu.memref_slice %arg9[%dma_start3A_19, %dma_start3A_20] : memref<100000x32xf32, #tpu.memory_space<hbm>> -> memref<100000x32xf32, #tpu.memory_space<hbm>>
    tpu.enqueue_indirect_dma source(%dma_start3A_21 : memref<100000x32xf32, #tpu.memory_space<hbm>>) target(%arg12 : memref<512x32xf32, #tpu.memory_space<vmem>>) offsets(%arg11 : memref<512xi32, #tpu.memory_space<vmem>>) semaphore(%arg13 : memref<!tpu.dma_semaphore, #tpu.memory_space<semaphore_mem>>)
    %dma_wait3A_22 = arith.constant 0 : i32
    %dma_wait3A_23 = arith.constant 0 : i32
    %dma_wait3A_24 = tpu.memref_slice %arg9[%dma_wait3A_22, %dma_wait3A_23] : memref<100000x32xf32, #tpu.memory_space<hbm>> -> memref<100000x32xf32, #tpu.memory_space<hbm>>
    tpu.wait_indirect_dma semaphore(%arg13 : memref<!tpu.dma_semaphore, #tpu.memory_space<semaphore_mem>>) src(%dma_wait3A_24 : memref<100000x32xf32, #tpu.memory_space<hbm>>) dst(%arg12 : memref<512x32xf32, #tpu.memory_space<vmem>>)
    "tpu.region"() ({
      %run_scoped3A = tpu.sem_alloc : memref<!tpu.dma_semaphore, #tpu.memory_space<semaphore_mem>>
      %dma_start3A_25 = arith.constant 96 : i32
      %dma_start3A_26 = tpu.memref_slice %arg10[%mul3A_2, %dma_start3A_25] : memref<16384x128xf32, #tpu.memory_space<hbm>> -> memref<512x32xf32, #tpu.memory_space<hbm>>
      %dma_start3A_27 = arith.constant 96 : i32
      %dma_start3A_28 = tpu.memref_slice %arg10[%mul3A_2, %dma_start3A_27] : memref<16384x128xf32, #tpu.memory_space<hbm>> -> memref<512x32xf32, #tpu.memory_space<hbm>>
      tpu.enqueue_dma source(%arg12 : memref<512x32xf32, #tpu.memory_space<vmem>>) target(%dma_start3A_28 : memref<512x32xf32, #tpu.memory_space<hbm>>) target_semaphore(%run_scoped3A : memref<!tpu.dma_semaphore, #tpu.memory_space<semaphore_mem>>)
      %dma_wait3A_29 = arith.constant 96 : i32
      %dma_wait3A_30 = tpu.memref_slice %arg10[%mul3A_2, %dma_wait3A_29] : memref<16384x128xf32, #tpu.memory_space<hbm>> -> memref<512x32xf32, #tpu.memory_space<hbm>>
      %dma_wait3A_31 = arith.constant 96 : i32
      %dma_wait3A_32 = tpu.memref_slice %arg10[%mul3A_2, %dma_wait3A_31] : memref<16384x128xf32, #tpu.memory_space<hbm>> -> memref<512x32xf32, #tpu.memory_space<hbm>>
      tpu.wait_dma2 semaphore(%run_scoped3A : memref<!tpu.dma_semaphore, #tpu.memory_space<semaphore_mem>>) src(%arg12 : memref<512x32xf32, #tpu.memory_space<vmem>>) dst(%dma_wait3A_32 : memref<512x32xf32, #tpu.memory_space<hbm>>)
      tpu.yield
    }) : () -> ()
    return
  }
}

module attributes {stable_mosaic.version = 14 : i64} {
  func.func @_tc_body(%arg0: i32, %arg1: memref<1024x128xf32, #tpu.memory_space<vmem>>, %arg2: memref<1024x128xf32, #tpu.memory_space<vmem>>, %arg3: memref<1024x64xf32, #tpu.memory_space<vmem>>, %arg4: memref<1x64xf32, #tpu.memory_space<vmem>>, %arg5: memref<1x64xf32, #tpu.memory_space<vmem>>, %arg6: memref<64x128xf32, #tpu.memory_space<vmem>>, %arg7: memref<1x128xf32, #tpu.memory_space<vmem>>, %arg8: memref<256x128xf32, #tpu.memory_space<vmem>>, %arg9: memref<128x128xf32, #tpu.memory_space<vmem>>, %arg10: memref<1x128xf32, #tpu.memory_space<vmem>>, %arg11: memref<1024x128xf32, #tpu.memory_space<vmem>>) attributes {dimension_semantics = [#tpu.dimension_semantics<arbitrary>], iteration_bounds = array<i64: 16>, scalar_prefetch = 0 : i64, scratch_operands = 0 : i64, tpu.core_type = #tpu.core_type<tc>, window_params = [{transform_indices = @transform_0, window_bounds = array<i64: 1024, 128>}, {transform_indices = @transform_1, window_bounds = array<i64: 1024, 128>}, {transform_indices = @transform_2, window_bounds = array<i64: 1024, 64>}, {pipeline_mode = #tpu.pipeline_mode<synchronous>, transform_indices = @transform_3, window_bounds = array<i64: 1, 64>}, {pipeline_mode = #tpu.pipeline_mode<synchronous>, transform_indices = @transform_4, window_bounds = array<i64: 1, 64>}, {pipeline_mode = #tpu.pipeline_mode<synchronous>, transform_indices = @transform_5, window_bounds = array<i64: 64, 128>}, {pipeline_mode = #tpu.pipeline_mode<synchronous>, transform_indices = @transform_6, window_bounds = array<i64: 1, 128>}, {pipeline_mode = #tpu.pipeline_mode<synchronous>, transform_indices = @transform_7, window_bounds = array<i64: 256, 128>}, {pipeline_mode = #tpu.pipeline_mode<synchronous>, transform_indices = @transform_8, window_bounds = array<i64: 128, 128>}, {pipeline_mode = #tpu.pipeline_mode<synchronous>, transform_indices = @transform_9, window_bounds = array<i64: 1, 128>}, {transform_indices = @transform_10, window_bounds = array<i64: 1024, 128>}]} {
    %get3A = arith.constant 0 : index
    %get3A_0 = arith.constant 0 : index
    %get3A_1 = vector.load %arg3[%get3A, %get3A_0] : memref<1024x64xf32, #tpu.memory_space<vmem>>, vector<1024x64xf32>
    %reduce_sum3A = arith.constant dense<0.000000e+00> : vector<1024xf32>
    %reduce_sum3A_2 = vector.multi_reduction <add>, %get3A_1, %reduce_sum3A [1] : vector<1024x64xf32> to vector<1024xf32>
    %broadcast_in_dim3A = vector.shape_cast %reduce_sum3A_2 : vector<1024xf32> to vector<1024x1xf32>
    %div3A = arith.constant 6.400000e+01 : f32
    %div3A_3 = vector.broadcast %div3A : f32 to vector<1024x1xf32>
    %div3A_4 = arith.divf %broadcast_in_dim3A, %div3A_3 : vector<1024x1xf32>
    %sub3A = vector.broadcast %div3A_4 : vector<1024x1xf32> to vector<1024x64xf32>
    %sub3A_5 = arith.subf %get3A_1, %sub3A : vector<1024x64xf32>
    %integer_pow3A = arith.mulf %sub3A_5, %sub3A_5 : vector<1024x64xf32>
    %reduce_sum3A_6 = arith.constant dense<0.000000e+00> : vector<1024xf32>
    %reduce_sum3A_7 = vector.multi_reduction <add>, %integer_pow3A, %reduce_sum3A_6 [1] : vector<1024x64xf32> to vector<1024xf32>
    %broadcast_in_dim3A_8 = vector.shape_cast %reduce_sum3A_7 : vector<1024xf32> to vector<1024x1xf32>
    %div3A_9 = arith.constant 6.400000e+01 : f32
    %div3A_10 = vector.broadcast %div3A_9 : f32 to vector<1024x1xf32>
    %div3A_11 = arith.divf %broadcast_in_dim3A_8, %div3A_10 : vector<1024x1xf32>
    %sub3A_12 = vector.broadcast %div3A_4 : vector<1024x1xf32> to vector<1024x64xf32>
    %sub3A_13 = arith.subf %get3A_1, %sub3A_12 : vector<1024x64xf32>
    %add3A = arith.constant 9.99999974E-6 : f32
    %add3A_14 = vector.broadcast %add3A : f32 to vector<1024x1xf32>
    %add3A_15 = arith.addf %div3A_11, %add3A_14 : vector<1024x1xf32>
    %rsqrt3A = math.rsqrt %add3A_15 : vector<1024x1xf32>
    %mul3A = vector.broadcast %rsqrt3A : vector<1024x1xf32> to vector<1024x64xf32>
    %mul3A_16 = arith.mulf %sub3A_13, %mul3A : vector<1024x64xf32>
    %get3A_17 = arith.constant 0 : index
    %get3A_18 = arith.constant 0 : index
    %get3A_19 = vector.load %arg4[%get3A_17, %get3A_18] : memref<1x64xf32, #tpu.memory_space<vmem>>, vector<1x64xf32>
    %mul3A_20 = vector.broadcast %get3A_19 : vector<1x64xf32> to vector<1024x64xf32>
    %mul3A_21 = arith.mulf %mul3A_16, %mul3A_20 : vector<1024x64xf32>
    %get3A_22 = arith.constant 0 : index
    %get3A_23 = arith.constant 0 : index
    %get3A_24 = vector.load %arg5[%get3A_22, %get3A_23] : memref<1x64xf32, #tpu.memory_space<vmem>>, vector<1x64xf32>
    %add3A_25 = vector.broadcast %get3A_24 : vector<1x64xf32> to vector<1024x64xf32>
    %add3A_26 = arith.addf %mul3A_21, %add3A_25 : vector<1024x64xf32>
    %get3A_27 = arith.constant 0 : index
    %get3A_28 = arith.constant 0 : index
    %get3A_29 = vector.load %arg6[%get3A_27, %get3A_28] : memref<64x128xf32, #tpu.memory_space<vmem>>, vector<64x128xf32>
    %dot_general3A = arith.constant dense<0.000000e+00> : vector<1024x128xf32>
    %dot_general3A_30 = tpu.matmul %add3A_26, %get3A_29, %dot_general3A {dimension_numbers = #tpu.dot_dimension_numbers<[1], [0], [0], [1], [0, 0, 1, 1], [], []>, transpose_lhs_hint = false} : vector<1024x64xf32>, vector<64x128xf32>, vector<1024x128xf32> -> vector<1024x128xf32>
    %get3A_31 = arith.constant 0 : index
    %get3A_32 = arith.constant 0 : index
    %get3A_33 = vector.load %arg7[%get3A_31, %get3A_32] : memref<1x128xf32, #tpu.memory_space<vmem>>, vector<1x128xf32>
    %add3A_34 = vector.broadcast %get3A_33 : vector<1x128xf32> to vector<1024x128xf32>
    %add3A_35 = arith.addf %dot_general3A_30, %add3A_34 : vector<1024x128xf32>
    %max3A = arith.constant 0.000000e+00 : f32
    %max3A_36 = vector.broadcast %max3A : f32 to vector<1024x128xf32>
    %max3A_37 = arith.maximumf %add3A_35, %max3A_36 : vector<1024x128xf32>
    %get3A_38 = arith.constant 0 : index
    %get3A_39 = arith.constant 0 : index
    %get3A_40 = vector.load %arg1[%get3A_38, %get3A_39] : memref<1024x128xf32, #tpu.memory_space<vmem>>, vector<1024x128xf32>
    %get3A_41 = arith.constant 0 : index
    %get3A_42 = arith.constant 0 : index
    %get3A_43 = vector.load %arg2[%get3A_41, %get3A_42] : memref<1024x128xf32, #tpu.memory_space<vmem>>, vector<1024x128xf32>
    %get3A_44 = arith.constant 0 : index
    %get3A_45 = arith.constant 0 : index
    %get3A_46 = vector.load %arg8[%get3A_44, %get3A_45] : memref<256x128xf32, #tpu.memory_space<vmem>>, vector<128x128xf32>
    %dot_general3A_47 = arith.constant dense<0.000000e+00> : vector<1024x128xf32>
    %dot_general3A_48 = tpu.matmul %get3A_40, %get3A_46, %dot_general3A_47 {dimension_numbers = #tpu.dot_dimension_numbers<[1], [0], [0], [1], [0, 0, 1, 1], [], []>, transpose_lhs_hint = false} : vector<1024x128xf32>, vector<128x128xf32>, vector<1024x128xf32> -> vector<1024x128xf32>
    %get3A_49 = arith.constant 128 : index
    %get3A_50 = arith.constant 0 : index
    %get3A_51 = vector.load %arg8[%get3A_49, %get3A_50] : memref<256x128xf32, #tpu.memory_space<vmem>>, vector<128x128xf32>
    %dot_general3A_52 = arith.constant dense<0.000000e+00> : vector<1024x128xf32>
    %dot_general3A_53 = tpu.matmul %get3A_43, %get3A_51, %dot_general3A_52 {dimension_numbers = #tpu.dot_dimension_numbers<[1], [0], [0], [1], [0, 0, 1, 1], [], []>, transpose_lhs_hint = false} : vector<1024x128xf32>, vector<128x128xf32>, vector<1024x128xf32> -> vector<1024x128xf32>
    %add3A_54 = arith.addf %dot_general3A_48, %dot_general3A_53 : vector<1024x128xf32>
    %get3A_55 = arith.constant 0 : index
    %get3A_56 = arith.constant 0 : index
    %get3A_57 = vector.load %arg9[%get3A_55, %get3A_56] : memref<128x128xf32, #tpu.memory_space<vmem>>, vector<128x128xf32>
    %dot_general3A_58 = arith.constant dense<0.000000e+00> : vector<1024x128xf32>
    %dot_general3A_59 = tpu.matmul %max3A_37, %get3A_57, %dot_general3A_58 {dimension_numbers = #tpu.dot_dimension_numbers<[1], [0], [0], [1], [0, 0, 1, 1], [], []>, transpose_lhs_hint = false} : vector<1024x128xf32>, vector<128x128xf32>, vector<1024x128xf32> -> vector<1024x128xf32>
    %add3A_60 = arith.addf %add3A_54, %dot_general3A_59 : vector<1024x128xf32>
    %get3A_61 = arith.constant 0 : index
    %get3A_62 = arith.constant 0 : index
    %get3A_63 = vector.load %arg10[%get3A_61, %get3A_62] : memref<1x128xf32, #tpu.memory_space<vmem>>, vector<1x128xf32>
    %add3A_64 = vector.broadcast %get3A_63 : vector<1x128xf32> to vector<1024x128xf32>
    %add3A_65 = arith.addf %add3A_60, %add3A_64 : vector<1024x128xf32>
    %max3A_66 = arith.constant 0.000000e+00 : f32
    %max3A_67 = vector.broadcast %max3A_66 : f32 to vector<1024x128xf32>
    %max3A_68 = arith.maximumf %add3A_65, %max3A_67 : vector<1024x128xf32>
    %swap3A = arith.constant 0 : index
    %swap3A_69 = arith.constant 0 : index
    %swap3A_70 = vector.load %arg11[%swap3A, %swap3A_69] : memref<1024x128xf32, #tpu.memory_space<vmem>>, vector<1024x128xf32>
    tpu.vector_store %arg11[%swap3A, %swap3A_69], %max3A_68 {strides = array<i32>} : memref<1024x128xf32, #tpu.memory_space<vmem>>, vector<1024x128xf32>,
    return
  }
  func.func @transform_0(%arg0: i32) -> (i32, i32) {
    %c0_i32 = arith.constant 0 : i32
    %c0_i32_0 = arith.constant 0 : i32
    return %arg0, %c0_i32 : i32, i32
  }
  func.func @transform_1(%arg0: i32) -> (i32, i32) {
    %c0_i32 = arith.constant 0 : i32
    %c0_i32_0 = arith.constant 0 : i32
    return %arg0, %c0_i32 : i32, i32
  }
  func.func @transform_2(%arg0: i32) -> (i32, i32) {
    %c0_i32 = arith.constant 0 : i32
    %c0_i32_0 = arith.constant 0 : i32
    return %arg0, %c0_i32 : i32, i32
  }
  func.func @transform_3(%arg0: i32) -> (i32, i32) {
    %c0_i32 = arith.constant 0 : i32
    %c0_i32_0 = arith.constant 0 : i32
    %c0_i32_1 = arith.constant 0 : i32
    return %c0_i32, %c0_i32_0 : i32, i32
  }
  func.func @transform_4(%arg0: i32) -> (i32, i32) {
    %c0_i32 = arith.constant 0 : i32
    %c0_i32_0 = arith.constant 0 : i32
    %c0_i32_1 = arith.constant 0 : i32
    return %c0_i32, %c0_i32_0 : i32, i32
  }
  func.func @transform_5(%arg0: i32) -> (i32, i32) {
    %c0_i32 = arith.constant 0 : i32
    %c0_i32_0 = arith.constant 0 : i32
    %c0_i32_1 = arith.constant 0 : i32
    return %c0_i32, %c0_i32_0 : i32, i32
  }
  func.func @transform_6(%arg0: i32) -> (i32, i32) {
    %c0_i32 = arith.constant 0 : i32
    %c0_i32_0 = arith.constant 0 : i32
    %c0_i32_1 = arith.constant 0 : i32
    return %c0_i32, %c0_i32_0 : i32, i32
  }
  func.func @transform_7(%arg0: i32) -> (i32, i32) {
    %c0_i32 = arith.constant 0 : i32
    %c0_i32_0 = arith.constant 0 : i32
    %c0_i32_1 = arith.constant 0 : i32
    return %c0_i32, %c0_i32_0 : i32, i32
  }
  func.func @transform_8(%arg0: i32) -> (i32, i32) {
    %c0_i32 = arith.constant 0 : i32
    %c0_i32_0 = arith.constant 0 : i32
    %c0_i32_1 = arith.constant 0 : i32
    return %c0_i32, %c0_i32_0 : i32, i32
  }
  func.func @transform_9(%arg0: i32) -> (i32, i32) {
    %c0_i32 = arith.constant 0 : i32
    %c0_i32_0 = arith.constant 0 : i32
    %c0_i32_1 = arith.constant 0 : i32
    return %c0_i32, %c0_i32_0 : i32, i32
  }
  func.func @transform_10(%arg0: i32) -> (i32, i32) {
    %c0_i32 = arith.constant 0 : i32
    %c0_i32_0 = arith.constant 0 : i32
    return %arg0, %c0_i32 : i32, i32
  }
}

</mosaic_0001>

<sc_bundles>
// kernel: kernel.5.cloned.1.call-start
scs
__scs_entry_jumppad:
0x0: {  	(pc) =	sbr.rel $0x88, $3  }
0x1: {  	(tag) =	ssettag $0x0;
	lr =	simm.s32 $0x1  }
0x2: {  	[smem:$0x3F8A] =	sst lr;
	_ =	strace $0xD0000000  }
0x3: {  	_ = 	snop  }
0x4: {  	_ = 	snop  }
0x5: {  	_ = 	snop  }
0x6: {  	_ = 	snop  }
0x7: {  	_ = 	snop  }
__scs_overlays_trampoline_lowered:
0x8: {  	[smem:$0x3F99] =	sst s0  }
0x9: {  	[smem:$0x3F9A] =	sst s1  }
0xa: {  	[smem:$0x3F9B] =	sst s2  }
0xb: {  	[smem:$0x3F9C] =	sst s3  }
0xc: {  	[smem:$0x3F9D] =	sst s4  }
0xd: {  	[smem:$0x3F9E] =	sst s5  }
0xe: {  	[smem:$0x3F9F] =	sst s6  }
0xf: {  	[smem:$0x3FA0] =	sst s7  }
0x10: {  	[smem:$0x3FA1] =	sst s8  }
0x11: {  	[smem:$0x3FA2] =	sst s9;
	s0 =	simm.s32 @!p0 $0x0  }
0x12: {  	s1 =	sld [smem:$0x3F88];
	s0 =	simm.s32 @p0 $0x1  }
0x13: {  	[smem:$0x3FA3] =	sst s0;
	s0 =	simm.s32 @!p1 $0x0  }
0x14: {  	s2 =	sld [smem:$0x3F87];
	s0 =	simm.s32 @p1 $0x1  }
0x15: {  	[smem:$0x3FA4] =	sst s0;
	s0 =	simm.s32 @!p2 $0x0  }
0x16: {  	s3 =	sld [smem:$0x3FDB];
	s0 =	simm.s32 @p2 $0x1  }
0x17: {  	s4 =	simm.s32 $0x1BF5;
	[smem:$0x3FA6] =	sst s0  }
0x18: {  	s0 =	sld [smem:$0x3F89];
	_ =	swait.ge [sflag:s4], $0x0  }
0x19: {  	s7 =	sld [smem:$0x3F8A]  }
0x1a: {  	s8 =	sadd.s32 $0xFFFFE003, lr  }
0x1b: {  	s9 =	sadd.s32 $0xFFFFFEF7, lr;
	s5 =	simm.s32 $0xFFFFFFFF;
	p2 =	slt.u32 s8, $0xFFFFF086  }
0x1c: {  	p1 =	slt.u32 s9, $0xF7A;
	s5 =	simm.s32 @!p2 $0x0  }
0x1d: {  	s5 =	simm.s32 @p1 $0x1;
	p0 =	seq.s32 s7, s2  }
0x1e: {  	s7 =	smul.u32 @!p0 $0xF7A, s2;
	p2 =	seq.s32 @!p0 s5, $0x0  }
0x1f: {  	s9 =	smul.u32 $0xF7A, s1;
	s8 =	simm.s32 @!p0 $0x1BF5;
	p2 =	por !p2, p0  }
0x20: {  	[sflag:s8] =	ssyncset.s32 @!p0 $0xFFFFF086;
	s6 =	sadd.s32 @!p0 s3, s7;
	s7 =	simm.s32 @!p0 $0x108  }
0x21: {  	s3 =	sadd.s32 s3, s9;
	s6 =	sadd.s32 @!p0 $0x88, s6;
	s7 =	simm.s32 @p2 $0x1082  }
0x22: {  	[simem:s7], [sflag:s8] =	dma.local @!p0 [hbm:s6], $0xF7A  }
0x23: {  	s9 =	sor.u32 $0xD0000000, s2;
	s6 =	simm.s32 $0x108;
	_ =	swait.ge @!p0 [sflag:s8], $0x0  }
0x24: {  	s3 =	sadd.s32 $0x88, s3;
	s6 =	simm.s32 @!p1 $0x1082;
	[sflag:s4] =	ssyncset.s32 $0xFFFFF086  }
0x25: {  	[simem:s6], [sflag:s4] =	dma.local [hbm:s3], $0xF7A  }
0x26: {  	[smem:$0x3F8A] =	sst s1;
	(tag) =	ssettag s2;
	_ =	strace s9  }
0x27: {  	s1 =	sld [smem:$0x3F9A]  }
0x28: {  	s2 =	sld [smem:$0x3F9B]  }
0x29: {  	s4 =	sld [smem:$0x3F9D]  }
0x2a: {  	p0 =	seq.s32 s5, $0x0;
	s5 =	sld [smem:$0x3F9E]  }
0x2b: {  	s6 =	sld [smem:$0x3F9F]  }
0x2c: {  	s7 =	sld [smem:$0x3FA0]  }
0x2d: {  	s3 =	simm.s32 $0x108;
	s8 =	sld [smem:$0x3FA1]  }
0x2e: {  	s3 =	simm.s32 @!p0 $0x1082;
	s9 =	sld [smem:$0x3FA2]  }
0x2f: {  	lr =	sadd.s32 s0, s3;
	s0 =	sld [smem:$0x3F99]  }
0x30: {  	s3 =	sld [smem:$0x3F9C]  }
0x31: {  	[smem:$0x3FA5] =	sst s10  }
0x32: {  	s10 =	sld [smem:$0x3FA3];
	_ =	sdelay $0x3  }
0x33: {  	p0 =	seq.s32 s10, $0x1;
	s10 =	sld [smem:$0x3FA5];
	_ =	sdelay $0x3  }
0x34: {  	[smem:$0x3FA5] =	sst s10  }
0x35: {  	s10 =	sld [smem:$0x3FA4];
	_ =	sdelay $0x3  }
0x36: {  	p1 =	seq.s32 s10, $0x1;
	s10 =	sld [smem:$0x3FA5];
	_ =	sdelay $0x3  }
0x37: {  	[smem:$0x3FA5] =	sst s10  }
0x38: {  	s10 =	sld [smem:$0x3FA6]  }
0x39: {  	_ = 	snop;
	(pc) =	sbr.ind lr, $3  }
0x3a: {  	_ = 	snop  }
0x3b: {  	_ = 	snop  }
0x3c: {  	p2 =	seq.s32 s10, $0x1;
	s10 =	sld [smem:$0x3FA5]  }
0x3d: {  	_ =	shalt  }
0x3e: {  	_ =	shalt  }
0x3f: {  	_ =	shalt  }
0x40: {  	_ =	shalt  }
0x41: {  	_ =	shalt  }
0x42: {  	_ =	shalt  }
0x43: {  	_ =	shalt  }
0x44: {  	_ =	shalt  }
0x45: {  	_ =	shalt  }
0x46: {  	_ =	shalt  }
0x47: {  	_ =	shalt  }
0x48: {  	_ =	shalt  }
0x49: {  	_ =	shalt  }
0x4a: {  	_ =	shalt  }
0x4b: {  	_ =	shalt  }
0x4c: {  	_ =	shalt  }
0x4d: {  	_ =	shalt  }
0x4e: {  	_ =	shalt  }
0x4f: {  	_ =	shalt  }
0x50: {  	_ =	shalt  }
0x51: {  	_ =	shalt  }
0x52: {  	_ =	shalt  }
0x53: {  	_ =	shalt  }
0x54: {  	_ =	shalt  }
0x55: {  	_ =	shalt  }
0x56: {  	_ =	shalt  }
0x57: {  	_ =	shalt  }
0x58: {  	_ =	shalt  }
0x59: {  	_ =	shalt  }
0x5a: {  	_ =	shalt  }
0x5b: {  	_ =	shalt  }
0x5c: {  	_ =	shalt  }
0x5d: {  	_ =	shalt  }
0x5e: {  	_ =	shalt  }
0x5f: {  	_ =	shalt  }
0x60: {  	_ =	shalt  }
0x61: {  	_ =	shalt  }
0x62: {  	_ =	shalt  }
0x63: {  	_ =	shalt  }
0x64: {  	_ =	shalt  }
0x65: {  	_ =	shalt  }
0x66: {  	_ =	shalt  }
0x67: {  	_ =	shalt  }
0x68: {  	_ =	shalt  }
0x69: {  	_ =	shalt  }
0x6a: {  	_ =	shalt  }
0x6b: {  	_ =	shalt  }
0x6c: {  	_ =	shalt  }
0x6d: {  	_ =	shalt  }
0x6e: {  	_ =	shalt  }
0x6f: {  	_ =	shalt  }
0x70: {  	_ =	shalt  }
0x71: {  	_ =	shalt  }
0x72: {  	_ =	shalt  }
0x73: {  	_ =	shalt  }
0x74: {  	_ =	shalt  }
0x75: {  	_ =	shalt  }
0x76: {  	_ =	shalt  }
0x77: {  	_ =	shalt  }
0x78: {  	_ =	shalt  }
0x79: {  	_ =	shalt  }
0x7a: {  	_ =	shalt  }
0x7b: {  	_ =	shalt  }
0x7c: {  	_ =	shalt  }
0x7d: {  	_ =	shalt  }
0x7e: {  	_ =	shalt  }
0x7f: {  	_ =	shalt  }
0x80: {  	_ =	shalt  }
0x81: {  	_ =	shalt  }
0x82: {  	_ =	shalt  }
0x83: {  	_ =	shalt  }
0x84: {  	_ =	shalt  }
0x85: {  	_ =	shalt  }
0x86: {  	_ =	shalt  }
0x87: {  	_ =	shalt  }
.Lfunc_end0:
.L_simem_size_0:
called_computation_lowered:
.L_overlay_start_0:
0x88: {  	s2 =	sld [smem:$0x3FD9]  }
0x89: {  	s3 =	sld [smem:$0x3FFE];
	_ =	sdelay $0x1  }
0x8a: {  	s1 =	srdreg.scid  }
0x8b: {  	s0 =	sand.u32 $0x1, s1  }
0x8c: {  	s17 =	sshll.u32 s0, $0xA;
	s2 =	sadd.s32 s3, s2  }
0x8d: {  	s2 =	sadd.s32 s2, s17  }
0x8e: {  	[smem:$0x3FB1] =	sst s2  }
0x8f: {  	_ = 	snop  }
0x90: {  	s2 =	sld [smem:$0x3FC9]  }
0x91: {  	s18 =	sld [smem:$0x3FC8]  }
0x92: {  	s4 =	sld [smem:$0x3FC7]  }
0x93: {  	s5 =	sld [smem:$0x3FC6];
	(tm) =	ssettm $0x1  }
0x94: {  	s6 =	sld [smem:$0x3FFB];
	_ =	sdelay $0x3  }
0x95: {  	_ =	strace s6  }
0x96: {  	s6 =	sld [smem:$0x3FFC];
	_ =	sdelay $0x3  }
0x97: {  	_ =	strace s6  }
0x98: {  	s6 =	sld [smem:$0x3FFD];
	_ =	sdelay $0x3  }
0x99: {  	_ =	strace s6  }
0x9a: {  	_ =	strace $0x8FFFFFFF  }
0x9b: {  	s19 =	sld [smem:$0x3FDB];
	_ =	sdelay $0x1  }
0x9c: {  	s7 =	simm.s32 $_scs_section_size  }
0x9d: {  	s8 =	simm.s32 $_size__tile_overlayer_lowered;
	s9 =	simm.s32 $_tile_overlayer_lowered  }
0x9e: {  	s22 =	simm.s32 $0x1BFF;
	s21 =	sshll.u32 s9, $0x1;
	s6 =	sadd.s32 s7, s19  }
0x9f: {  	s10 =	simm.s32 $0x0;
	s20 =	sshll.u32 s8, $0x1;
	s8 =	sadd.s32 s21, s6  }
0xa0: {  	[timem:s10], [sflag:s22] =	dma.local [hbm:s8], s20  }
0xa1: {  	_ =	swait.ge [sflag:s22], s20  }
0xa2: {  	s7 =	ssub.s32 $0x0, s20;
	[sflag:s22] =	ssyncset.done $0x0  }
0xa3: {  	[sflag:s22] =	ssyncadd.s32 s7;
	_ =	sdelay $0x1  }
0xa4: {  	s23 =	simm.s32 $0x1B8B  }
0xa5: {  	_ =	swait.ge [sflag:s23], $0x1  }
0xa6: {  	[sflag:s23] =	ssyncset.done $0x0  }
0xa7: {  	s25 =	simm.s32 $0x1B8E;
	s24 =	sld [smem:$0x3FFE];
	[sflag:s23] =	ssyncadd.s32 $0xFFFFFFFF  }
0xa8: {  	s26 =	simm.s32 $execute0_lowered;
	[smem:$0x3FD2] =	sst s25  }
0xa9: {  	s8 =	sshll.u32 s26, $0x1;
	_ =	strace $0x80000046;
	[dreg:$0x1] =	wrdreg $0xFFFFFFFF  }
0xaa: {  	s28 =	simm.s32 $_size_execute0_lowered;
	s6 =	sadd.s32 s6, s8;
	[dreg:$0x0] =	wrdreg $0x0  }
0xab: {  	s8 =	sshll.u32 s28, $0x1;
	[dreg:$0x2] =	wrdreg s6  }
0xac: {  	[dreg:$0x3] =	wrdreg s8  }
0xad: {  	[dreg:$0x4] =	wrdreg $0xC0  }
0xae: {  	_ =	task [dreg:s10], $0x5FFFF  }
0xaf: {  	[dreg:$0x1] =	wrdreg $0xFFFFFFFF  }
0xb0: {  	[dreg:$0x0] =	wrdreg $0x60  }
0xb1: {  	[dreg:$0x2] =	wrdreg s2  }
0xb2: {  	[dreg:$0x3] =	wrdreg s18  }
0xb3: {  	[dreg:$0x4] =	wrdreg s4  }
0xb4: {  	[dreg:$0x5] =	wrdreg s5  }
0xb5: {  	[dreg:$0x6] =	wrdreg s24  }
0xb6: {  	[dreg:$0x7] =	wrdreg $0x9  }
0xb7: {  	_ =	task.clear_ibuf [dreg:s10], $0x8FFFF;
	_ =	strace $0x90000046  }
0xb8: {  	s29 =	simm.s32 $0x9;
	_ =	strace $0x80000048  }
0xb9: {  	_ =	swait.ge [sflag:s29], $0x1  }
0xba: {  	[sflag:s29] =	ssyncadd.s32 $0xFFFFFFFF  }
0xbb: {  	_ =	strace $0x90000048  }
0xbc: {  	_ =	sfence  }
0xbd: {  	s30 =	sld [smem:$0x0];
	_ =	sdelay $0x2  }
0xbe: {  	s31 =	sshll.u32 s1, $0xD;
	s1 =	sshrl.u32 s1, $0x2  }
0xbf: {  	s3 =	sand.u32 $0x4000, s31;
	s1 =	sadd.s32 s1, s30  }
0xc0: {  	s0 =	sor.u32 s3, s0;
	s1 =	sshll.u32 s1, $0x11  }
0xc1: {  	s0 =	sor.u32 s1, s0  }
0xc2: {  	s0 =	sadd.s32 $0x8F2B, s0  }
0xc3: {  	[sflag:s0] =	ssyncadd.remote.s32 $0x1  }
0xc4: {  	_ =	sfence.sel $0xFFFF  }
0xc5: {  	[dreg:$0x0] =	wrdreg $0xFFFFFFFF;
	(pc) =	sbr.abs _section_cstart, $3  }
0xc6: {  	[dreg:$0x1] =	wrdreg $0xFFFFFFFF  }
0xc7: {  	_ =	task.clear_ibuf [dreg:s10], $0x2FFFF;
	_ =	strace $0x9FFFFFFF  }
0xc8: {  	(tm) =	ssettm $0x7FFFFFFF  }
0xc9: {  	_ =	shalt  }
tec
execute0_lowered:
.L_overlay_start_1:
0x0: {  	(tag) =	ssettag $0x1  }
0x1: {  	s3 =	rddreg [dreg:$0x0]  }
0x2: {  	s11 =	rddreg [dreg:$0x1]  }
0x3: {  	s14 =	rddreg [dreg:$0x2];
	s1 =	srdreg.scid  }
0x4: {  	s17 =	rddreg [dreg:$0x3];
	s0 =	stileid.u32;
	s19 =	sand.u32 $0x1, s1  }
0x5: {  	s18 =	rddreg [dreg:$0x4];
	s4 =	sshll.u32 s0, $0xA;
	s5 =	sshll.u32 s19, $0x9  }
0x6: {  	s2 =	simm.s32 $0x0;
	s1 =	rddreg [dreg:$0x5];
	s6 =	sor.u32 s5, s4  }
0x7: {  	[smem:$0x7FF] =	sst s2;
	s20 =	sshrl.u32 s6, $0x3  }
0x8: {  	_ =	strace $0x80000047;
	s4 =	sadd.s32 s3, s20;
	s3 =	simm.s32 $0x2  }
0x9: {  	[tilespmem:s2], [sflag:$0x2] =	stream.linear.gather [hbm4b:s4+s2], $0x200, $0x38;
	[tilespmem:$0x4200] =	vst v63  }
0xa: {  	_ =	swait.ge [sflag:s3], $0x200  }
0xb: {  	s7 =	simm.s32 $0x1;
	s5 =	sadd.s32 $0x2B4800, s18;
	[sflag:s3] =	ssyncset.done $0x0  }
0xc: {  	s8 =	sshll.u32 s6, $0x4;
	s6 =	simm.s32 $0x200;
	[sflag:s3] =	ssyncadd.s32 $0xFFFFFE00  }
0xd: {  	[tilespmem:s6], [sflag:$0x1] =	stream.indirect.gather [hbm4b:s5+s6], $0x20, s2, s6, $0xb8;
	[tilespmem:$0x4200] =	vst v63  }
0xe: {  	_ =	swait.ge [sflag:s7], $0x4000  }
0xf: {  	s9 =	simm.s32 $0x20;
	s21 =	sadd.s32 s8, s18;
	[sflag:s7] =	ssyncset.done $0x0  }
0x10: {  	s10 =	simm.s32 $0x80;
	s8 =	sadd.s32 $0x8A00, s21;
	[sflag:s7] =	ssyncadd.s32 $0xFFFFC000  }
0x11: {  	[hbm4b:s8+s9] =	stream.strided.scatter [tilespmem:s6], [sflag:$0x2], $0x4000, s10, s9, $0x38;
	[tilespmem:$0x4200] =	vst v63  }
0x12: {  	_ =	swait.ge [sflag:s3], $0x4000  }
0x13: {  	[sflag:s3] =	ssyncset.done $0x0  }
0x14: {  	s11 =	sadd.s32 s11, s20;
	[sflag:s3] =	ssyncadd.s32 $0xFFFFC000  }
0x15: {  	[tilespmem:s2], [sflag:$0x2] =	stream.linear.gather [hbm4b:s11+s2], $0x200, $0x38;
	[tilespmem:$0x4200] =	vst v63  }
0x16: {  	_ =	swait.ge [sflag:s3], $0x200  }
0x17: {  	[sflag:s3] =	ssyncset.done $0x0  }
0x18: {  	s12 =	sadd.s32 $0x252C00, s18;
	[sflag:s3] =	ssyncadd.s32 $0xFFFFFE00  }
0x19: {  	[tilespmem:s6], [sflag:$0x1] =	stream.indirect.gather [hbm4b:s12+s6], $0x20, s2, s6, $0xb8;
	[tilespmem:$0x4200] =	vst v63  }
0x1a: {  	_ =	swait.ge [sflag:s7], $0x4000  }
0x1b: {  	[sflag:s7] =	ssyncset.done $0x0  }
0x1c: {  	s13 =	sadd.s32 $0x8A04, s21;
	[sflag:s7] =	ssyncadd.s32 $0xFFFFC000  }
0x1d: {  	[hbm4b:s13+s9] =	stream.strided.scatter [tilespmem:s6], [sflag:$0x2], $0x4000, s10, s9, $0x38;
	[tilespmem:$0x4200] =	vst v63  }
0x1e: {  	_ =	swait.ge [sflag:s3], $0x4000  }
0x1f: {  	[sflag:s3] =	ssyncset.done $0x0  }
0x20: {  	s14 =	sadd.s32 s14, s20;
	[sflag:s3] =	ssyncadd.s32 $0xFFFFC000  }
0x21: {  	[tilespmem:s2], [sflag:$0x2] =	stream.linear.gather [hbm4b:s14+s2], $0x200, $0x38;
	[tilespmem:$0x4200] =	vst v63  }
0x22: {  	_ =	swait.ge [sflag:s3], $0x200  }
0x23: {  	[sflag:s3] =	ssyncset.done $0x0  }
0x24: {  	s15 =	sadd.s32 $0x1F1000, s18;
	[sflag:s3] =	ssyncadd.s32 $0xFFFFFE00  }
0x25: {  	[tilespmem:s6], [sflag:$0x1] =	stream.indirect.gather [hbm4b:s15+s6], $0x20, s2, s6, $0xb8;
	[tilespmem:$0x4200] =	vst v63  }
0x26: {  	_ =	swait.ge [sflag:s7], $0x4000  }
0x27: {  	[sflag:s7] =	ssyncset.done $0x0  }
0x28: {  	s16 =	sadd.s32 $0x8A08, s21;
	[sflag:s7] =	ssyncadd.s32 $0xFFFFC000  }
0x29: {  	[hbm4b:s16+s9] =	stream.strided.scatter [tilespmem:s6], [sflag:$0x2], $0x4000, s10, s9, $0x38;
	[tilespmem:$0x4200] =	vst v63  }
0x2a: {  	_ =	swait.ge [sflag:s3], $0x4000  }
0x2b: {  	[sflag:s3] =	ssyncset.done $0x0  }
0x2c: {  	s19 =	ssub.s32 $0x2, s19;
	s17 =	sadd.s32 s17, s20;
	[sflag:s3] =	ssyncadd.s32 $0xFFFFC000  }
0x2d: {  	[tilespmem:s2], [sflag:$0x2] =	stream.linear.gather [hbm4b:s17+s2], $0x200, $0x38;
	[tilespmem:$0x4200] =	vst v63  }
0x2e: {  	s31 =	sshrl.u32 s19, $0x1;
	_ =	swait.ge [sflag:s3], $0x200  }
0x2f: {  	s20 =	ssub.s32 s19, s31;
	[sflag:s3] =	ssyncset.done $0x0  }
0x30: {  	s18 =	sadd.s32 $0x18F400, s18;
	s20 =	smax.u32 s20, $0x1;
	[sflag:s3] =	ssyncadd.s32 $0xFFFFFE00  }
0x31: {  	[tilespmem:s6], [sflag:$0x1] =	stream.indirect.gather [hbm4b:s18+s6], $0x20, s2, s6, $0xb8;
	[tilespmem:$0x4200] =	vst v63  }
0x32: {  	p0 =	sne.s32 s20, $0x1;
	_ =	swait.ge [sflag:s7], $0x4000  }
.Ltmp0:
0x33: {  	[sflag:s7] =	ssyncset.done $0x0;
	(pc) =	sbr.rel @!p0 .LBB2_2-.Ltmp0, $4  }
0x34: {  	s19 =	sadd.s32 $0x8A0C, s21;
	[sflag:s7] =	ssyncadd.s32 $0xFFFFC000  }
0x35: {  	[hbm4b:s19+s9] =	stream.strided.scatter [tilespmem:s6], [sflag:$0x2], $0x4000, s10, s9, $0x38;
	[tilespmem:$0x4200] =	vst v63  }
0x36: {  	_ =	swait.ge [sflag:s3], $0x4000  }
0x37: {  	s20 =	sadd.s32 $0xFFFFFFFF, s20;
	[sflag:s3] =	ssyncset.done $0x0  }
.LBB2_1:
0x38: {  	p0 =	sne.s32 s20, $0x1;
	s20 =	sadd.s32 $0xFFFFFFFF, s20;
	[sflag:s3] =	ssyncadd.s32 $0xFFFFC000  }
0x39: {  	[tilespmem:s2], [sflag:$0x2] =	stream.linear.gather [hbm4b:s4+s2], $0x200, $0x38;
	[tilespmem:$0x4200] =	vst v63  }
0x3a: {  	_ =	swait.ge [sflag:s3], $0x200  }
0x3b: {  	[sflag:s3] =	ssyncset.done $0x0  }
0x3c: {  	[sflag:s3] =	ssyncadd.s32 $0xFFFFFE00  }
0x3d: {  	[tilespmem:s6], [sflag:$0x1] =	stream.indirect.gather [hbm4b:s5+s6], $0x20, s2, s6, $0xb8;
	[tilespmem:$0x4200] =	vst v63  }
0x3e: {  	_ =	swait.ge [sflag:s7], $0x4000  }
0x3f: {  	[sflag:s7] =	ssyncset.done $0x0  }
0x40: {  	[sflag:s7] =	ssyncadd.s32 $0xFFFFC000  }
0x41: {  	[hbm4b:s8+s9] =	stream.strided.scatter [tilespmem:s6], [sflag:$0x2], $0x4000, s10, s9, $0x38;
	[tilespmem:$0x4200] =	vst v63  }
0x42: {  	_ =	swait.ge [sflag:s3], $0x4000  }
0x43: {  	[sflag:s3] =	ssyncset.done $0x0  }
0x44: {  	[sflag:s3] =	ssyncadd.s32 $0xFFFFC000  }
0x45: {  	[tilespmem:s2], [sflag:$0x2] =	stream.linear.gather [hbm4b:s11+s2], $0x200, $0x38;
	[tilespmem:$0x4200] =	vst v63  }
0x46: {  	_ =	swait.ge [sflag:s3], $0x200  }
0x47: {  	[sflag:s3] =	ssyncset.done $0x0  }
0x48: {  	[sflag:s3] =	ssyncadd.s32 $0xFFFFFE00  }
0x49: {  	[tilespmem:s6], [sflag:$0x1] =	stream.indirect.gather [hbm4b:s12+s6], $0x20, s2, s6, $0xb8;
	[tilespmem:$0x4200] =	vst v63  }
0x4a: {  	_ =	swait.ge [sflag:s7], $0x4000  }
0x4b: {  	[sflag:s7] =	ssyncset.done $0x0  }
0x4c: {  	[sflag:s7] =	ssyncadd.s32 $0xFFFFC000  }
0x4d: {  	[hbm4b:s13+s9] =	stream.strided.scatter [tilespmem:s6], [sflag:$0x2], $0x4000, s10, s9, $0x38;
	[tilespmem:$0x4200] =	vst v63  }
0x4e: {  	_ =	swait.ge [sflag:s3], $0x4000  }
0x4f: {  	[sflag:s3] =	ssyncset.done $0x0  }
0x50: {  	[sflag:s3] =	ssyncadd.s32 $0xFFFFC000  }
0x51: {  	[tilespmem:s2], [sflag:$0x2] =	stream.linear.gather [hbm4b:s14+s2], $0x200, $0x38;
	[tilespmem:$0x4200] =	vst v63  }
0x52: {  	_ =	swait.ge [sflag:s3], $0x200  }
0x53: {  	[sflag:s3] =	ssyncset.done $0x0  }
0x54: {  	[sflag:s3] =	ssyncadd.s32 $0xFFFFFE00  }
0x55: {  	[tilespmem:s6], [sflag:$0x1] =	stream.indirect.gather [hbm4b:s15+s6], $0x20, s2, s6, $0xb8;
	[tilespmem:$0x4200] =	vst v63  }
0x56: {  	_ =	swait.ge [sflag:s7], $0x4000  }
0x57: {  	[sflag:s7] =	ssyncset.done $0x0  }
0x58: {  	[sflag:s7] =	ssyncadd.s32 $0xFFFFC000  }
0x59: {  	[hbm4b:s16+s9] =	stream.strided.scatter [tilespmem:s6], [sflag:$0x2], $0x4000, s10, s9, $0x38;
	[tilespmem:$0x4200] =	vst v63  }
0x5a: {  	_ =	swait.ge [sflag:s3], $0x4000  }
0x5b: {  	[sflag:s3] =	ssyncset.done $0x0  }
0x5c: {  	[sflag:s3] =	ssyncadd.s32 $0xFFFFC000  }
0x5d: {  	[tilespmem:s2], [sflag:$0x2] =	stream.linear.gather [hbm4b:s17+s2], $0x200, $0x38;
	[tilespmem:$0x4200] =	vst v63  }
0x5e: {  	_ =	swait.ge [sflag:s3], $0x200  }
0x5f: {  	[sflag:s3] =	ssyncset.done $0x0  }
0x60: {  	[sflag:s3] =	ssyncadd.s32 $0xFFFFFE00  }
0x61: {  	[tilespmem:s6], [sflag:$0x1] =	stream.indirect.gather [hbm4b:s18+s6], $0x20, s2, s6, $0xb8;
	[tilespmem:$0x4200] =	vst v63  }
0x62: {  	_ =	swait.ge [sflag:s7], $0x4000  }
.Ltmp1:
0x63: {  	[sflag:s7] =	ssyncset.done $0x0;
	(pc) =	sbr.rel @p0 .LBB2_1-.Ltmp1, $4  }
0x64: {  	[sflag:s7] =	ssyncadd.s32 $0xFFFFC000  }
0x65: {  	[hbm4b:s19+s9] =	stream.strided.scatter [tilespmem:s6], [sflag:$0x2], $0x4000, s10, s9, $0x38;
	[tilespmem:$0x4200] =	vst v63  }
0x66: {  	_ =	swait.ge [sflag:s3], $0x4000  }
0x67: {  	[sflag:s3] =	ssyncset.done $0x0  }
.LBB2_2:
0x68: {  	[sflag:s3] =	ssyncadd.s32 $0xFFFFC000  }
0x69: {  	_ =	sfence.sel $0x180000  }
0x6a: {  	[bflag:$0x0] =	sbarrier.arrive $0xFFFF  }
0x6b: {  	p0 =	sne.s32 s0, $0x0;
	_ =	strace $0x90000047  }
0x6c: {  	s0 =	sadd.s32 @!p0 $0x100000, s1;
	[bflag:$0x2] =	sbarrier.arrive $0xFFFF  }
0x6d: {  	[sflag:s0] =	ssyncadd.tile.s32 @!p0 $0x1;
	_ =	shalt  }
.Lfunc_end2:
_tile_overlayer_lowered:
.L_overlay_start_2:
0x6e: {  	(tag) =	ssettag $0x2  }
0x6f: {  	s0 =	rddreg [dreg:$0x0];
	s2 =	stileid.u32  }
0x70: {  	s1 =	rddreg [dreg:$0x1];
	p0 =	sne.s32 s2, $0x0  }
0x71: {  	s3 =	rddreg [dreg:$0x2];
	[bflag:$0x3] =	sbarrier.arrive $0xFFFF;
	s2 =	simm.s32 @!p0 $0x1C02  }
0x72: {  	[timem:s3], [sflag:s2] =	dma.local @!p0 [hbm:s0], s1  }
0x73: {  	s0 =	simm.s32 @!p0 $0x2  }
0x74: {  	_ =	swait.ge @!p0 [sflag:s0], s1  }
0x75: {  	s1 =	ssub.s32 @!p0 $0x0, s1;
	[sflag:s0] =	ssyncset.done @!p0 $0x0  }
0x76: {  	[sflag:s0] =	ssyncadd.s32 @!p0 s1  }
0x77: {  	[bflag:$0x3] =	sbarrier.arrive $0xFFFF  }
0x78: {  	_ =	shalt  }

// kernel: kernel.8.cloned.1.call-start
scs
__scs_entry_jumppad:
0x0: {  	(pc) =	sbr.rel $0x88, $3  }
0x1: {  	(tag) =	ssettag $0x0;
	lr =	simm.s32 $0x1  }
0x2: {  	[smem:$0x3F8A] =	sst lr;
	_ =	strace $0xD0000000  }
0x3: {  	_ = 	snop  }
0x4: {  	_ = 	snop  }
0x5: {  	_ = 	snop  }
0x6: {  	_ = 	snop  }
0x7: {  	_ = 	snop  }
__scs_overlays_trampoline_lowered:
0x8: {  	[smem:$0x3F99] =	sst s0  }
0x9: {  	[smem:$0x3F9A] =	sst s1  }
0xa: {  	[smem:$0x3F9B] =	sst s2  }
0xb: {  	[smem:$0x3F9C] =	sst s3  }
0xc: {  	[smem:$0x3F9D] =	sst s4  }
0xd: {  	[smem:$0x3F9E] =	sst s5  }
0xe: {  	[smem:$0x3F9F] =	sst s6  }
0xf: {  	[smem:$0x3FA0] =	sst s7  }
0x10: {  	[smem:$0x3FA1] =	sst s8  }
0x11: {  	[smem:$0x3FA2] =	sst s9;
	s0 =	simm.s32 @!p0 $0x0  }
0x12: {  	s1 =	sld [smem:$0x3F88];
	s0 =	simm.s32 @p0 $0x1  }
0x13: {  	[smem:$0x3FA3] =	sst s0;
	s0 =	simm.s32 @!p1 $0x0  }
0x14: {  	s2 =	sld [smem:$0x3F87];
	s0 =	simm.s32 @p1 $0x1  }
0x15: {  	[smem:$0x3FA4] =	sst s0;
	s0 =	simm.s32 @!p2 $0x0  }
0x16: {  	s3 =	sld [smem:$0x3FDB];
	s0 =	simm.s32 @p2 $0x1  }
0x17: {  	s4 =	simm.s32 $0x1BF5;
	[smem:$0x3FA6] =	sst s0  }
0x18: {  	s0 =	sld [smem:$0x3F89];
	_ =	swait.ge [sflag:s4], $0x0  }
0x19: {  	s7 =	sld [smem:$0x3F8A]  }
0x1a: {  	s8 =	sadd.s32 $0xFFFFE003, lr  }
0x1b: {  	s9 =	sadd.s32 $0xFFFFFEF7, lr;
	s5 =	simm.s32 $0xFFFFFFFF;
	p2 =	slt.u32 s8, $0xFFFFF086  }
0x1c: {  	p1 =	slt.u32 s9, $0xF7A;
	s5 =	simm.s32 @!p2 $0x0  }
0x1d: {  	s5 =	simm.s32 @p1 $0x1;
	p0 =	seq.s32 s7, s2  }
0x1e: {  	s7 =	smul.u32 @!p0 $0xF7A, s2;
	p2 =	seq.s32 @!p0 s5, $0x0  }
0x1f: {  	s9 =	smul.u32 $0xF7A, s1;
	s8 =	simm.s32 @!p0 $0x1BF5;
	p2 =	por !p2, p0  }
0x20: {  	[sflag:s8] =	ssyncset.s32 @!p0 $0xFFFFF086;
	s6 =	sadd.s32 @!p0 s3, s7;
	s7 =	simm.s32 @!p0 $0x108  }
0x21: {  	s3 =	sadd.s32 s3, s9;
	s6 =	sadd.s32 @!p0 $0x88, s6;
	s7 =	simm.s32 @p2 $0x1082  }
0x22: {  	[simem:s7], [sflag:s8] =	dma.local @!p0 [hbm:s6], $0xF7A  }
0x23: {  	s9 =	sor.u32 $0xD0000000, s2;
	s6 =	simm.s32 $0x108;
	_ =	swait.ge @!p0 [sflag:s8], $0x0  }
0x24: {  	s3 =	sadd.s32 $0x88, s3;
	s6 =	simm.s32 @!p1 $0x1082;
	[sflag:s4] =	ssyncset.s32 $0xFFFFF086  }
0x25: {  	[simem:s6], [sflag:s4] =	dma.local [hbm:s3], $0xF7A  }
0x26: {  	[smem:$0x3F8A] =	sst s1;
	(tag) =	ssettag s2;
	_ =	strace s9  }
0x27: {  	s1 =	sld [smem:$0x3F9A]  }
0x28: {  	s2 =	sld [smem:$0x3F9B]  }
0x29: {  	s4 =	sld [smem:$0x3F9D]  }
0x2a: {  	p0 =	seq.s32 s5, $0x0;
	s5 =	sld [smem:$0x3F9E]  }
0x2b: {  	s6 =	sld [smem:$0x3F9F]  }
0x2c: {  	s7 =	sld [smem:$0x3FA0]  }
0x2d: {  	s3 =	simm.s32 $0x108;
	s8 =	sld [smem:$0x3FA1]  }
0x2e: {  	s3 =	simm.s32 @!p0 $0x1082;
	s9 =	sld [smem:$0x3FA2]  }
0x2f: {  	lr =	sadd.s32 s0, s3;
	s0 =	sld [smem:$0x3F99]  }
0x30: {  	s3 =	sld [smem:$0x3F9C]  }
0x31: {  	[smem:$0x3FA5] =	sst s10  }
0x32: {  	s10 =	sld [smem:$0x3FA3];
	_ =	sdelay $0x3  }
0x33: {  	p0 =	seq.s32 s10, $0x1;
	s10 =	sld [smem:$0x3FA5];
	_ =	sdelay $0x3  }
0x34: {  	[smem:$0x3FA5] =	sst s10  }
0x35: {  	s10 =	sld [smem:$0x3FA4];
	_ =	sdelay $0x3  }
0x36: {  	p1 =	seq.s32 s10, $0x1;
	s10 =	sld [smem:$0x3FA5];
	_ =	sdelay $0x3  }
0x37: {  	[smem:$0x3FA5] =	sst s10  }
0x38: {  	s10 =	sld [smem:$0x3FA6]  }
0x39: {  	_ = 	snop;
	(pc) =	sbr.ind lr, $3  }
0x3a: {  	_ = 	snop  }
0x3b: {  	_ = 	snop  }
0x3c: {  	p2 =	seq.s32 s10, $0x1;
	s10 =	sld [smem:$0x3FA5]  }
0x3d: {  	_ =	shalt  }
0x3e: {  	_ =	shalt  }
0x3f: {  	_ =	shalt  }
0x40: {  	_ =	shalt  }
0x41: {  	_ =	shalt  }
0x42: {  	_ =	shalt  }
0x43: {  	_ =	shalt  }
0x44: {  	_ =	shalt  }
0x45: {  	_ =	shalt  }
0x46: {  	_ =	shalt  }
0x47: {  	_ =	shalt  }
0x48: {  	_ =	shalt  }
0x49: {  	_ =	shalt  }
0x4a: {  	_ =	shalt  }
0x4b: {  	_ =	shalt  }
0x4c: {  	_ =	shalt  }
0x4d: {  	_ =	shalt  }
0x4e: {  	_ =	shalt  }
0x4f: {  	_ =	shalt  }
0x50: {  	_ =	shalt  }
0x51: {  	_ =	shalt  }
0x52: {  	_ =	shalt  }
0x53: {  	_ =	shalt  }
0x54: {  	_ =	shalt  }
0x55: {  	_ =	shalt  }
0x56: {  	_ =	shalt  }
0x57: {  	_ =	shalt  }
0x58: {  	_ =	shalt  }
0x59: {  	_ =	shalt  }
0x5a: {  	_ =	shalt  }
0x5b: {  	_ =	shalt  }
0x5c: {  	_ =	shalt  }
0x5d: {  	_ =	shalt  }
0x5e: {  	_ =	shalt  }
0x5f: {  	_ =	shalt  }
0x60: {  	_ =	shalt  }
0x61: {  	_ =	shalt  }
0x62: {  	_ =	shalt  }
0x63: {  	_ =	shalt  }
0x64: {  	_ =	shalt  }
0x65: {  	_ =	shalt  }
0x66: {  	_ =	shalt  }
0x67: {  	_ =	shalt  }
0x68: {  	_ =	shalt  }
0x69: {  	_ =	shalt  }
0x6a: {  	_ =	shalt  }
0x6b: {  	_ =	shalt  }
0x6c: {  	_ =	shalt  }
0x6d: {  	_ =	shalt  }
0x6e: {  	_ =	shalt  }
0x6f: {  	_ =	shalt  }
0x70: {  	_ =	shalt  }
0x71: {  	_ =	shalt  }
0x72: {  	_ =	shalt  }
0x73: {  	_ =	shalt  }
0x74: {  	_ =	shalt  }
0x75: {  	_ =	shalt  }
0x76: {  	_ =	shalt  }
0x77: {  	_ =	shalt  }
0x78: {  	_ =	shalt  }
0x79: {  	_ =	shalt  }
0x7a: {  	_ =	shalt  }
0x7b: {  	_ =	shalt  }
0x7c: {  	_ =	shalt  }
0x7d: {  	_ =	shalt  }
0x7e: {  	_ =	shalt  }
0x7f: {  	_ =	shalt  }
0x80: {  	_ =	shalt  }
0x81: {  	_ =	shalt  }
0x82: {  	_ =	shalt  }
0x83: {  	_ =	shalt  }
0x84: {  	_ =	shalt  }
0x85: {  	_ =	shalt  }
0x86: {  	_ =	shalt  }
0x87: {  	_ =	shalt  }
.Lfunc_end0:
.L_simem_size_0:
called_computation.1_lowered:
.L_overlay_start_0:
0x88: {  	s2 =	sld [smem:$0x3FD9]  }
0x89: {  	s3 =	sld [smem:$0x3FFE];
	_ =	sdelay $0x1  }
0x8a: {  	s1 =	srdreg.scid  }
0x8b: {  	s0 =	sand.u32 $0x1, s1  }
0x8c: {  	s17 =	sshll.u32 s0, $0xA;
	s2 =	sadd.s32 s3, s2  }
0x8d: {  	s2 =	sadd.s32 s2, s17  }
0x8e: {  	[smem:$0x3FB1] =	sst s2  }
0x8f: {  	_ = 	snop  }
0x90: {  	s4 =	sld [smem:$0x3FC5]  }
0x91: {  	s5 =	sld [smem:$0x3FC4]  }
0x92: {  	s6 =	sld [smem:$0x3FC3]  }
0x93: {  	s7 =	sld [smem:$0x3FC2]  }
0x94: {  	s18 =	sld [smem:$0x3FD0];
	(tm) =	ssettm $0x1  }
0x95: {  	s19 =	sld [smem:$0x3FFB];
	_ =	sdelay $0x3  }
0x96: {  	_ =	strace s19  }
0x97: {  	s2 =	sld [smem:$0x3FFC];
	_ =	sdelay $0x3  }
0x98: {  	_ =	strace s2  }
0x99: {  	s2 =	sld [smem:$0x3FFD];
	_ =	sdelay $0x3  }
0x9a: {  	_ =	strace s2  }
0x9b: {  	_ =	strace $0x8FFFFFFF  }
0x9c: {  	s20 =	sld [smem:$0x3FDB];
	_ =	sdelay $0x1  }
0x9d: {  	s8 =	simm.s32 $_scs_section_size  }
0x9e: {  	s9 =	simm.s32 $_size__tile_overlayer_lowered;
	s10 =	simm.s32 $_tile_overlayer_lowered  }
0x9f: {  	s11 =	simm.s32 $0x1BFF;
	s21 =	sshll.u32 s10, $0x1;
	s8 =	sadd.s32 s8, s20  }
0xa0: {  	s22 =	simm.s32 $0x0;
	s9 =	sshll.u32 s9, $0x1;
	s10 =	sadd.s32 s21, s8  }
0xa1: {  	[timem:s22], [sflag:s11] =	dma.local [hbm:s10], s9  }
0xa2: {  	_ =	swait.ge [sflag:s11], s9  }
0xa3: {  	s9 =	ssub.s32 $0x0, s9;
	[sflag:s11] =	ssyncset.done $0x0  }
0xa4: {  	[sflag:s11] =	ssyncadd.s32 s9;
	_ =	sdelay $0x1  }
0xa5: {  	s23 =	simm.s32 $0x1B8B  }
0xa6: {  	_ =	swait.ge [sflag:s23], $0x1  }
0xa7: {  	[sflag:s23] =	ssyncset.done $0x0  }
0xa8: {  	[sflag:s23] =	ssyncadd.s32 $0xFFFFFFFF  }
0xa9: {  	s9 =	sld [smem:$0x0]  }
0xaa: {  	s10 =	sand.u32 $0xFFFFFFFE, s1  }
0xab: {  	p0 =	sne.s32 s1, s10  }
0xac: {  	s10 =	sshll.u32 @p0 s10, $0xE  }
0xad: {  	s10 =	sadd.s32 @p0 $0x11B8D, s10;
	s11 =	sshll.u32 @p0 s9, $0x11  }
0xae: {  	s10 =	sor.u32 @p0 s11, s10  }
0xaf: {  	[sflag:s10] =	ssyncadd.remote.s32 @p0 $0x1;
	_ =	sdelay $0x1  }
0xb0: {  	s10 =	simm.s32 @p0 $0x1B8D  }
0xb1: {  	_ =	swait.eq @p0 [sflag:s10], $0x1  }
0xb2: {  	[sflag:s10] =	ssyncadd.s32 @p0 $0xFFFFFFFF  }
0xb3: {  	s11 =	sshll.u32 @!p0 s1, $0xE  }
0xb4: {  	s11 =	sor.u32 @!p0 $0x4000, s11;
	s10 =	simm.s32 @!p0 $0x1B8D  }
0xb5: {  	s9 =	sshll.u32 @!p0 s9, $0x11;
	s11 =	sadd.s32 @!p0 $0x11B8D, s11;
	_ =	swait.eq @!p0 [sflag:s10], $0x1  }
0xb6: {  	s9 =	sor.u32 @!p0 s9, s11;
	[sflag:s10] =	ssyncadd.s32 @!p0 $0xFFFFFFFF  }
0xb7: {  	s25 =	simm.s32 $0x1B8E;
	s24 =	sld [smem:$0x3FFE];
	[sflag:s9] =	ssyncadd.remote.s32 @!p0 $0x1  }
0xb8: {  	s26 =	simm.s32 $execute0_lowered;
	[smem:$0x3FD2] =	sst s25  }
0xb9: {  	s10 =	sshll.u32 s26, $0x1;
	_ =	strace $0x80000049;
	[dreg:$0x1] =	wrdreg $0xFFFFFFFF  }
0xba: {  	s28 =	simm.s32 $_size_execute0_lowered;
	s8 =	sadd.s32 s8, s10;
	[dreg:$0x0] =	wrdreg $0x0  }
0xbb: {  	s10 =	sshll.u32 s28, $0x1;
	[dreg:$0x2] =	wrdreg s8  }
0xbc: {  	[dreg:$0x3] =	wrdreg s10  }
0xbd: {  	[dreg:$0x4] =	wrdreg $0xC0  }
0xbe: {  	_ =	task [dreg:s22], $0x5FFFF  }
0xbf: {  	[dreg:$0x1] =	wrdreg $0xFFFFFFFF  }
0xc0: {  	[dreg:$0x0] =	wrdreg $0x60  }
0xc1: {  	[dreg:$0x2] =	wrdreg s4  }
0xc2: {  	[dreg:$0x3] =	wrdreg s5  }
0xc3: {  	[dreg:$0x4] =	wrdreg s6  }
0xc4: {  	[dreg:$0x5] =	wrdreg s7  }
0xc5: {  	[dreg:$0x6] =	wrdreg s24  }
0xc6: {  	[dreg:$0x7] =	wrdreg s18  }
0xc7: {  	[dreg:$0x8] =	wrdreg $0xA  }
0xc8: {  	_ =	task.clear_ibuf [dreg:s22], $0x9FFFF;
	_ =	strace $0x90000049  }
0xc9: {  	s29 =	simm.s32 $0xA;
	_ =	strace $0x8000004B  }
0xca: {  	_ =	swait.ge [sflag:s29], $0x1  }
0xcb: {  	[sflag:s29] =	ssyncadd.s32 $0xFFFFFFFF  }
0xcc: {  	_ =	strace $0x9000004B  }
0xcd: {  	_ =	sfence  }
0xce: {  	s30 =	sld [smem:$0x0];
	_ =	sdelay $0x2  }
0xcf: {  	s31 =	sshll.u32 s1, $0xD;
	s1 =	sshrl.u32 s1, $0x2  }
0xd0: {  	s4 =	sand.u32 $0x4000, s31;
	s1 =	sadd.s32 s1, s30  }
0xd1: {  	s0 =	sor.u32 s4, s0;
	s1 =	sshll.u32 s1, $0x11  }
0xd2: {  	s0 =	sor.u32 s1, s0  }
0xd3: {  	s0 =	sadd.s32 $0x8F2B, s0  }
0xd4: {  	[sflag:s0] =	ssyncadd.remote.s32 $0x1  }
0xd5: {  	_ =	sfence.sel $0xFFFF  }
0xd6: {  	[dreg:$0x0] =	wrdreg $0xFFFFFFFF;
	(pc) =	sbr.abs _section_cstart, $3  }
0xd7: {  	[dreg:$0x1] =	wrdreg $0xFFFFFFFF  }
0xd8: {  	_ =	task.clear_ibuf [dreg:s22], $0x2FFFF;
	_ =	strace $0x9FFFFFFF  }
0xd9: {  	(tm) =	ssettm $0x7FFFFFFF  }
tec
execute0_lowered:
.L_overlay_start_1:
0x0: {  	(tag) =	ssettag $0x1  }
0x1: {  	s3 =	rddreg [dreg:$0x0]  }
0x2: {  	s11 =	rddreg [dreg:$0x1]  }
0x3: {  	s14 =	rddreg [dreg:$0x2]  }
0x4: {  	s17 =	rddreg [dreg:$0x3];
	s1 =	srdreg.scid  }
0x5: {  	s18 =	rddreg [dreg:$0x4];
	s0 =	stileid.u32;
	s19 =	sand.u32 $0x1, s1  }
0x6: {  	s8 =	rddreg [dreg:$0x5];
	s4 =	sshll.u32 s0, $0xA;
	s5 =	sshll.u32 s19, $0x9  }
0x7: {  	s2 =	simm.s32 $0x0;
	s1 =	rddreg [dreg:$0x6];
	s9 =	sor.u32 s5, s4  }
0x8: {  	[smem:$0x7FF] =	sst s2;
	s20 =	sshrl.u32 s9, $0x3  }
0x9: {  	_ =	strace $0x8000004A;
	s4 =	sadd.s32 s3, s20;
	s3 =	simm.s32 $0x2  }
0xa: {  	[tilespmem:s2], [sflag:$0x2] =	stream.linear.gather [hbm4b:s4+s2], $0x200, $0x38;
	[tilespmem:$0x4200] =	vst v63  }
0xb: {  	_ =	swait.ge [sflag:s3], $0x200  }
0xc: {  	s6 =	simm.s32 $0x200;
	[sflag:s3] =	ssyncset.done $0x0  }
0xd: {  	s7 =	simm.s32 $0x1;
	s5 =	sadd.s32 $0x49CE00, s18;
	[sflag:s3] =	ssyncadd.s32 $0xFFFFFE00  }
0xe: {  	[tilespmem:s6], [sflag:$0x1] =	stream.indirect.gather [hbm4b:s5+s6], $0x20, s2, s6, $0xb8;
	[tilespmem:$0x4200] =	vst v63  }
0xf: {  	_ =	swait.ge [sflag:s7], $0x4000  }
0x10: {  	s10 =	simm.s32 $0x80;
	s9 =	sshll.u32 s9, $0x4;
	[sflag:s7] =	ssyncset.done $0x0  }
0x11: {  	s8 =	sadd.s32 s8, s9;
	s9 =	simm.s32 $0x20;
	[sflag:s7] =	ssyncadd.s32 $0xFFFFC000  }
0x12: {  	[hbm4b:s8+s9] =	stream.strided.scatter [tilespmem:s6], [sflag:$0x2], $0x4000, s10, s9, $0x38;
	[tilespmem:$0x4200] =	vst v63  }
0x13: {  	_ =	swait.ge [sflag:s3], $0x4000  }
0x14: {  	[sflag:s3] =	ssyncset.done $0x0  }
0x15: {  	s11 =	sadd.s32 s11, s20;
	[sflag:s3] =	ssyncadd.s32 $0xFFFFC000  }
0x16: {  	[tilespmem:s2], [sflag:$0x2] =	stream.linear.gather [hbm4b:s11+s2], $0x200, $0x38;
	[tilespmem:$0x4200] =	vst v63  }
0x17: {  	_ =	swait.ge [sflag:s3], $0x200  }
0x18: {  	[sflag:s3] =	ssyncset.done $0x0  }
0x19: {  	s12 =	sadd.s32 $0x10C200, s18;
	[sflag:s3] =	ssyncadd.s32 $0xFFFFFE00  }
0x1a: {  	[tilespmem:s6], [sflag:$0x1] =	stream.indirect.gather [hbm4b:s12+s6], $0x20, s2, s6, $0xb8;
	[tilespmem:$0x4200] =	vst v63  }
0x1b: {  	_ =	swait.ge [sflag:s7], $0x4000  }
0x1c: {  	[sflag:s7] =	ssyncset.done $0x0  }
0x1d: {  	s13 =	sadd.s32 $0x4, s8;
	[sflag:s7] =	ssyncadd.s32 $0xFFFFC000  }
0x1e: {  	[hbm4b:s13+s9] =	stream.strided.scatter [tilespmem:s6], [sflag:$0x2], $0x4000, s10, s9, $0x38;
	[tilespmem:$0x4200] =	vst v63  }
0x1f: {  	_ =	swait.ge [sflag:s3], $0x4000  }
0x20: {  	[sflag:s3] =	ssyncset.done $0x0  }
0x21: {  	s14 =	sadd.s32 s14, s20;
	[sflag:s3] =	ssyncadd.s32 $0xFFFFC000  }
0x22: {  	[tilespmem:s2], [sflag:$0x2] =	stream.linear.gather [hbm4b:s14+s2], $0x200, $0x38;
	[tilespmem:$0x4200] =	vst v63  }
0x23: {  	_ =	swait.ge [sflag:s3], $0x200  }
0x24: {  	[sflag:s3] =	ssyncset.done $0x0  }
0x25: {  	s15 =	sadd.s32 $0xAA600, s18;
	[sflag:s3] =	ssyncadd.s32 $0xFFFFFE00  }
0x26: {  	[tilespmem:s6], [sflag:$0x1] =	stream.indirect.gather [hbm4b:s15+s6], $0x20, s2, s6, $0xb8;
	[tilespmem:$0x4200] =	vst v63  }
0x27: {  	_ =	swait.ge [sflag:s7], $0x4000  }
0x28: {  	[sflag:s7] =	ssyncset.done $0x0  }
0x29: {  	s16 =	sadd.s32 $0x8, s8;
	[sflag:s7] =	ssyncadd.s32 $0xFFFFC000  }
0x2a: {  	[hbm4b:s16+s9] =	stream.strided.scatter [tilespmem:s6], [sflag:$0x2], $0x4000, s10, s9, $0x38;
	[tilespmem:$0x4200] =	vst v63  }
0x2b: {  	_ =	swait.ge [sflag:s3], $0x4000  }
0x2c: {  	[sflag:s3] =	ssyncset.done $0x0  }
0x2d: {  	s19 =	ssub.s32 $0x2, s19;
	s17 =	sadd.s32 s17, s20;
	[sflag:s3] =	ssyncadd.s32 $0xFFFFC000  }
0x2e: {  	[tilespmem:s2], [sflag:$0x2] =	stream.linear.gather [hbm4b:s17+s2], $0x200, $0x38;
	[tilespmem:$0x4200] =	vst v63  }
0x2f: {  	s31 =	sshrl.u32 s19, $0x1;
	_ =	swait.ge [sflag:s3], $0x200  }
0x30: {  	s20 =	ssub.s32 s19, s31;
	[sflag:s3] =	ssyncset.done $0x0  }
0x31: {  	s18 =	sadd.s32 $0x48A00, s18;
	s20 =	smax.u32 s20, $0x1;
	[sflag:s3] =	ssyncadd.s32 $0xFFFFFE00  }
0x32: {  	[tilespmem:s6], [sflag:$0x1] =	stream.indirect.gather [hbm4b:s18+s6], $0x20, s2, s6, $0xb8;
	[tilespmem:$0x4200] =	vst v63  }
0x33: {  	p0 =	sne.s32 s20, $0x1;
	_ =	swait.ge [sflag:s7], $0x4000  }
.Ltmp0:
0x34: {  	[sflag:s7] =	ssyncset.done $0x0;
	(pc) =	sbr.rel @!p0 .LBB2_2-.Ltmp0, $4  }
0x35: {  	s19 =	sadd.s32 $0xC, s8;
	[sflag:s7] =	ssyncadd.s32 $0xFFFFC000  }
0x36: {  	[hbm4b:s19+s9] =	stream.strided.scatter [tilespmem:s6], [sflag:$0x2], $0x4000, s10, s9, $0x38;
	[tilespmem:$0x4200] =	vst v63  }
0x37: {  	_ =	swait.ge [sflag:s3], $0x4000  }
0x38: {  	s20 =	sadd.s32 $0xFFFFFFFF, s20;
	[sflag:s3] =	ssyncset.done $0x0  }
.LBB2_1:
0x39: {  	p0 =	sne.s32 s20, $0x1;
	s20 =	sadd.s32 $0xFFFFFFFF, s20;
	[sflag:s3] =	ssyncadd.s32 $0xFFFFC000  }
0x3a: {  	[tilespmem:s2], [sflag:$0x2] =	stream.linear.gather [hbm4b:s4+s2], $0x200, $0x38;
	[tilespmem:$0x4200] =	vst v63  }
0x3b: {  	_ =	swait.ge [sflag:s3], $0x200  }
0x3c: {  	[sflag:s3] =	ssyncset.done $0x0  }
0x3d: {  	[sflag:s3] =	ssyncadd.s32 $0xFFFFFE00  }
0x3e: {  	[tilespmem:s6], [sflag:$0x1] =	stream.indirect.gather [hbm4b:s5+s6], $0x20, s2, s6, $0xb8;
	[tilespmem:$0x4200] =	vst v63  }
0x3f: {  	_ =	swait.ge [sflag:s7], $0x4000  }
0x40: {  	[sflag:s7] =	ssyncset.done $0x0  }
0x41: {  	[sflag:s7] =	ssyncadd.s32 $0xFFFFC000  }
0x42: {  	[hbm4b:s8+s9] =	stream.strided.scatter [tilespmem:s6], [sflag:$0x2], $0x4000, s10, s9, $0x38;
	[tilespmem:$0x4200] =	vst v63  }
0x43: {  	_ =	swait.ge [sflag:s3], $0x4000  }
0x44: {  	[sflag:s3] =	ssyncset.done $0x0  }
0x45: {  	[sflag:s3] =	ssyncadd.s32 $0xFFFFC000  }
0x46: {  	[tilespmem:s2], [sflag:$0x2] =	stream.linear.gather [hbm4b:s11+s2], $0x200, $0x38;
	[tilespmem:$0x4200] =	vst v63  }
0x47: {  	_ =	swait.ge [sflag:s3], $0x200  }
0x48: {  	[sflag:s3] =	ssyncset.done $0x0  }
0x49: {  	[sflag:s3] =	ssyncadd.s32 $0xFFFFFE00  }
0x4a: {  	[tilespmem:s6], [sflag:$0x1] =	stream.indirect.gather [hbm4b:s12+s6], $0x20, s2, s6, $0xb8;
	[tilespmem:$0x4200] =	vst v63  }
0x4b: {  	_ =	swait.ge [sflag:s7], $0x4000  }
0x4c: {  	[sflag:s7] =	ssyncset.done $0x0  }
0x4d: {  	[sflag:s7] =	ssyncadd.s32 $0xFFFFC000  }
0x4e: {  	[hbm4b:s13+s9] =	stream.strided.scatter [tilespmem:s6], [sflag:$0x2], $0x4000, s10, s9, $0x38;
	[tilespmem:$0x4200] =	vst v63  }
0x4f: {  	_ =	swait.ge [sflag:s3], $0x4000  }
0x50: {  	[sflag:s3] =	ssyncset.done $0x0  }
0x51: {  	[sflag:s3] =	ssyncadd.s32 $0xFFFFC000  }
0x52: {  	[tilespmem:s2], [sflag:$0x2] =	stream.linear.gather [hbm4b:s14+s2], $0x200, $0x38;
	[tilespmem:$0x4200] =	vst v63  }
0x53: {  	_ =	swait.ge [sflag:s3], $0x200  }
0x54: {  	[sflag:s3] =	ssyncset.done $0x0  }
0x55: {  	[sflag:s3] =	ssyncadd.s32 $0xFFFFFE00  }
0x56: {  	[tilespmem:s6], [sflag:$0x1] =	stream.indirect.gather [hbm4b:s15+s6], $0x20, s2, s6, $0xb8;
	[tilespmem:$0x4200] =	vst v63  }
0x57: {  	_ =	swait.ge [sflag:s7], $0x4000  }
0x58: {  	[sflag:s7] =	ssyncset.done $0x0  }
0x59: {  	[sflag:s7] =	ssyncadd.s32 $0xFFFFC000  }
0x5a: {  	[hbm4b:s16+s9] =	stream.strided.scatter [tilespmem:s6], [sflag:$0x2], $0x4000, s10, s9, $0x38;
	[tilespmem:$0x4200] =	vst v63  }
0x5b: {  	_ =	swait.ge [sflag:s3], $0x4000  }
0x5c: {  	[sflag:s3] =	ssyncset.done $0x0  }
0x5d: {  	[sflag:s3] =	ssyncadd.s32 $0xFFFFC000  }
0x5e: {  	[tilespmem:s2], [sflag:$0x2] =	stream.linear.gather [hbm4b:s17+s2], $0x200, $0x38;
	[tilespmem:$0x4200] =	vst v63  }
0x5f: {  	_ =	swait.ge [sflag:s3], $0x200  }
0x60: {  	[sflag:s3] =	ssyncset.done $0x0  }
0x61: {  	[sflag:s3] =	ssyncadd.s32 $0xFFFFFE00  }
0x62: {  	[tilespmem:s6], [sflag:$0x1] =	stream.indirect.gather [hbm4b:s18+s6], $0x20, s2, s6, $0xb8;
	[tilespmem:$0x4200] =	vst v63  }
0x63: {  	_ =	swait.ge [sflag:s7], $0x4000  }
.Ltmp1:
0x64: {  	[sflag:s7] =	ssyncset.done $0x0;
	(pc) =	sbr.rel @p0 .LBB2_1-.Ltmp1, $4  }
0x65: {  	[sflag:s7] =	ssyncadd.s32 $0xFFFFC000  }
0x66: {  	[hbm4b:s19+s9] =	stream.strided.scatter [tilespmem:s6], [sflag:$0x2], $0x4000, s10, s9, $0x38;
	[tilespmem:$0x4200] =	vst v63  }
0x67: {  	_ =	swait.ge [sflag:s3], $0x4000  }
0x68: {  	[sflag:s3] =	ssyncset.done $0x0  }
.LBB2_2:
0x69: {  	[sflag:s3] =	ssyncadd.s32 $0xFFFFC000  }
0x6a: {  	_ =	sfence.sel $0x180000  }
0x6b: {  	[bflag:$0x0] =	sbarrier.arrive $0xFFFF  }
0x6c: {  	p0 =	sne.s32 s0, $0x0;
	_ =	strace $0x9000004A  }
0x6d: {  	s0 =	sadd.s32 @!p0 $0x100000, s1;
	[bflag:$0x2] =	sbarrier.arrive $0xFFFF  }
0x6e: {  	[sflag:s0] =	ssyncadd.tile.s32 @!p0 $0x1;
	_ =	shalt  }
.Lfunc_end2:
_tile_overlayer_lowered:
.L_overlay_start_2:
0x6f: {  	(tag) =	ssettag $0x2  }
0x70: {  	s0 =	rddreg [dreg:$0x0];
	s2 =	stileid.u32  }
0x71: {  	s1 =	rddreg [dreg:$0x1];
	p0 =	sne.s32 s2, $0x0  }
0x72: {  	s3 =	rddreg [dreg:$0x2];
	[bflag:$0x3] =	sbarrier.arrive $0xFFFF;
	s2 =	simm.s32 @!p0 $0x1C02  }
0x73: {  	[timem:s3], [sflag:s2] =	dma.local @!p0 [hbm:s0], s1  }
0x74: {  	s0 =	simm.s32 @!p0 $0x2  }
0x75: {  	_ =	swait.ge @!p0 [sflag:s0], s1  }
0x76: {  	s1 =	ssub.s32 @!p0 $0x0, s1;
	[sflag:s0] =	ssyncset.done @!p0 $0x0  }
0x77: {  	[sflag:s0] =	ssyncadd.s32 @!p0 s1  }
0x78: {  	[bflag:$0x3] =	sbarrier.arrive $0xFFFF  }
0x79: {  	_ =	shalt  }

</sc_bundles>
